<compile_context>
chip_gen: v7x
topology: tpu7x:2x2x1
jax: 0.10.2.dev20260603
libtpu: 0.0.44.dev20260713+nightly
codegen_flags: <defaults>
</compile_context>

<pallas_src>
import dataclasses

import jax
import jax.numpy as jnp
from jax import lax
from jax.experimental import pallas as pl
from jax.experimental.pallas import tpu as pltpu
from jax.experimental.pallas import tpu_sc as plsc

NSEG = 10000
TBL = 10240
NC, NS = 2, 16
ROWS = 320000
D = 128
PER_CORE = ROWS // NC
PER_SUB = PER_CORE // NS
TILE = 80
N_TILES = PER_SUB // TILE
SLICE = TBL // NS


def _square_body(x_ref, o_ref):
    x = x_ref[...]
    o_ref[...] = x * x


def _tc_square(data):
    blk = 2560
    return pl.pallas_call(
        _square_body,
        grid=(ROWS // blk,),
        in_specs=[pl.BlockSpec((blk, D), lambda i: (i, 0))],
        out_specs=pl.BlockSpec((blk, D), lambda i: (i, 0)),
        out_shape=jax.ShapeDtypeStruct((ROWS, D), jnp.float32),
    )(data)


def _make_sc_body(do_cnt):
    def body(src_hbm, ids_hbm, *refs):
        if do_cnt:
            (out0_hbm, out1_hbm, cnt_hbm,
             tile_a, tile_b, ids_a, ids_b, cnt_ts, acc_sh, sem_a, sem_b) = refs
        else:
            (out0_hbm, out1_hbm,
             tile_a, tile_b, ids_a, ids_b, acc_sh, sem_a, sem_b) = refs
        c = lax.axis_index("c")
        s = lax.axis_index("s")
        base = c * PER_CORE + s * PER_SUB
        off = s * SLICE
        zvec = jnp.zeros((16,), jnp.float32)

        def issue(t, tile, idsb, sem):
            start = base + t * TILE
            pltpu.async_copy(src_hbm.at[pl.ds(start, TILE)], tile, sem)
            pltpu.async_copy(ids_hbm.at[pl.ds(start, TILE)], idsb.at[0], sem)

        def wait(t, tile, idsb, sem):
            start = base + t * TILE
            pltpu.make_async_copy(
                src_hbm.at[pl.ds(start, TILE)], tile, sem).wait()
            pltpu.make_async_copy(
                ids_hbm.at[pl.ds(start, TILE)], idsb.at[0], sem).wait()

        def scatter(tile, idsb):
            pltpu.sync_copy(tile, acc_sh.at[idsb.at[0]], add=True)

        iot = lax.iota(jnp.int32, 16)
        rot_prev = (iot + 15) & 15
        rot_next = (iot + 1) & 15

        def count(idsb):
            @pl.loop(0, TILE // 16)
            def _(k):
                v = idsb[0, pl.ds(k * 16, 16)]
                prev = jnp.where(
                    iot == 0, -1,
                    v.at[rot_prev].get(mode="promise_in_bounds"))
                nxt = v.at[rot_next].get(mode="promise_in_bounds")
                is_first = prev != v
                is_last = jnp.logical_or(iot == 15, v != nxt)
                run_start = plsc.cummax(jnp.where(is_first, iot, 0))
                run_len = (iot - run_start + 1).astype(jnp.float32)
                plsc.addupdate_scatter(cnt_ts, [v], run_len, mask=is_last)

        @pl.loop(0, TILE)
        def _(r):
            for dcol in range(D // 16):
                tile_a[r, pl.ds(dcol * 16, 16)] = zvec

        if do_cnt:
            @pl.loop(0, TBL // 16)
            def _(k):
                cnt_ts[pl.ds(k * 16, 16)] = zvec

        @pl.loop(0, SLICE // TILE)
        def _(k):
            pltpu.sync_copy(tile_a, acc_sh.at[pl.ds(off + k * TILE, TILE)])

        plsc.subcore_barrier()

        issue(0, tile_a, ids_a, sem_a)

        @pl.loop(0, N_TILES, step=2)
        def _(t):
            issue(t + 1, tile_b, ids_b, sem_b)
            wait(t, tile_a, ids_a, sem_a)
            scatter(tile_a, ids_a)
            if do_cnt:
                count(ids_a)

            @pl.when(t + 2 < N_TILES)
            def _():
                issue(t + 2, tile_a, ids_a, sem_a)

            wait(t + 1, tile_b, ids_b, sem_b)
            scatter(tile_b, ids_b)
            if do_cnt:
                count(ids_b)

        plsc.subcore_barrier()

        def write_out(dst_hbm):
            @pl.loop(0, SLICE // TILE)
            def _(k):
                pltpu.sync_copy(acc_sh.at[pl.ds(off + k * TILE, TILE)], tile_a)
                pltpu.sync_copy(tile_a, dst_hbm.at[pl.ds(off + k * TILE, TILE)])

        @pl.when(c == 0)
        def _():
            write_out(out0_hbm)

        @pl.when(c == 1)
        def _():
            write_out(out1_hbm)

        if do_cnt:
            pltpu.sync_copy(cnt_ts, cnt_hbm.at[c * NS + s])

    return body


def _sc_scatter(src, ids32, do_cnt):
    mesh = plsc.VectorSubcoreMesh(core_axis_name="c", subcore_axis_name="s")
    f32 = jnp.float32
    cp = pltpu.CompilerParams()
    if "needs_layout_passes" in pltpu.CompilerParams.__dataclass_fields__:
        cp = dataclasses.replace(cp, needs_layout_passes=False)
    out_type = [
        jax.ShapeDtypeStruct((TBL, D), f32),
        jax.ShapeDtypeStruct((TBL, D), f32),
    ]
    scratch = [
        pltpu.VMEM((TILE, D), f32),
        pltpu.VMEM((TILE, D), f32),
        pltpu.VMEM((1, TILE), jnp.int32),
        pltpu.VMEM((1, TILE), jnp.int32),
    ]
    if do_cnt:
        out_type.append(jax.ShapeDtypeStruct((NC * NS, TBL), f32))
        scratch.append(pltpu.VMEM((TBL,), f32))
    scratch += [
        pltpu.VMEM_SHARED((TBL, D), f32),
        pltpu.SemaphoreType.DMA,
        pltpu.SemaphoreType.DMA,
    ]
    return pl.kernel(
        _make_sc_body(do_cnt),
        out_type=out_type,
        mesh=mesh,
        scratch_types=scratch,
        compiler_params=cp,
    )(src, ids32)


def _finalize_body(s0_ref, s1_ref, q0_ref, q1_ref, cnt_ref, o_ref):
    c = jnp.sum(cnt_ref[...], axis=0)[:, None]
    cs = jnp.maximum(c, 1.0)
    mean = (s0_ref[...] + s1_ref[...]) / cs
    ex2 = (q0_ref[...] + q1_ref[...]) / cs
    var_b = ex2 - mean * mean
    corr = c / jnp.maximum(c - 1.0, 1.0)
    var_u = var_b * corr
    sem = jnp.sqrt(jnp.maximum(var_u, 1e-12) / cs)
    o_ref[:, 0:D] = mean
    o_ref[:, D:2 * D] = sem


def _tc_finalize(s0, s1, q0, q1, cnt):
    blk = 1280
    return pl.pallas_call(
        _finalize_body,
        grid=(TBL // blk,),
        in_specs=[
            pl.BlockSpec((blk, D), lambda i: (i, 0)),
            pl.BlockSpec((blk, D), lambda i: (i, 0)),
            pl.BlockSpec((blk, D), lambda i: (i, 0)),
            pl.BlockSpec((blk, D), lambda i: (i, 0)),
            pl.BlockSpec((NC * NS, blk), lambda i: (0, i)),
        ],
        out_specs=pl.BlockSpec((blk, 2 * D), lambda i: (i, 0)),
        out_shape=jax.ShapeDtypeStruct((TBL, 2 * D), jnp.float32),
    )(s0, s1, q0, q1, cnt)


@jax.jit
def _impl(data, segment_ids):
    ids32 = segment_ids.astype(jnp.int32)
    sq = _tc_square(data)
    s0, s1, cnt = _sc_scatter(data, ids32, True)
    q0, q1 = _sc_scatter(sq, ids32, False)
    table = _tc_finalize(s0, s1, q0, q1, cnt)
    return table[:NSEG]


def kernel(data, segment_ids):
    return _impl(data, segment_ids)

# --- scband reference (transcript-rebuilt; emitter-appended) ---
"""Pipeline reference for scband-tensor-data-frame-analysis-18820546691672 (READ-ONLY COPY).

The authoritative reference and input builder live on the scoring server;
editing this copy changes nothing except your own understanding.
"""

import jax, jax.numpy as jnp
import numpy as np

NUM_SEGMENTS = 10000


def setup_inputs(seed: int = 0) -> dict:
    key = jax.random.key(seed)
    k1, k2 = jax.random.split(key)
    data = jax.random.normal(k1, (320000, 128), dtype=jnp.float32)
    segment_ids = jnp.sort(jax.random.randint(k2, (320000,), 0, NUM_SEGMENTS)).astype(jnp.int64)
    return {"data": data, "segment_ids": segment_ids}


def reference(data, segment_ids):
    # Faithful distillation of TensorDataFrameAnalysis.forward groupby-agg core:
    # groupby(segment)[y].agg('mean') plus SEM of the group values
    # (estimator='mean' path; SEM = sqrt(unbiased_var / n)).
    num_segments = NUM_SEGMENTS
    ones = jnp.ones((data.shape[0],), dtype=jnp.float32)
    cnt = jax.ops.segment_sum(ones, segment_ids, num_segments=num_segments)
    s = jax.ops.segment_sum(data, segment_ids, num_segments=num_segments)
    cnt_safe = jnp.maximum(cnt, 1.0)
    mean = s / cnt_safe[:, None]
    ss = jax.ops.segment_sum(data * data, segment_ids, num_segments=num_segments)
    ex2 = ss / cnt_safe[:, None]
    var_biased = ex2 - mean * mean
    n_minus_1 = jnp.maximum(cnt - 1.0, 1.0)
    var_unbiased = var_biased * (cnt / n_minus_1)[:, None]
    sem = jnp.sqrt(jnp.maximum(var_unbiased, 1e-12) / cnt_safe[:, None])
    # output table: [num_segments, 2*d] = concat(group means, group SEMs)
    return jnp.concatenate([mean, sem], axis=1)

if __name__ == "__main__":
    import jax
    _d = setup_inputs()
    print(jax.jit(kernel)(*tuple(_d.values())))

</pallas_src>

<mosaic_0001>
#map = affine_map<(d0, d1) -> (0, 0)>
#map1 = affine_map<(d0, d1) -> (0)>
module attributes {stable_mosaic.version = 14 : i64} {
  func.func @body(%arg0: i32, %arg1: i32, %arg2: memref<320000x128xf32, #tpu.memory_space<hbm>>, %arg3: memref<320000xi32, #tpu.memory_space<hbm>>, %arg4: memref<10240x128xf32, #tpu.memory_space<hbm>>, %arg5: memref<10240x128xf32, #tpu.memory_space<hbm>>, %arg6: memref<80x128xf32, #tpu.memory_space<vmem>>, %arg7: memref<80x128xf32, #tpu.memory_space<vmem>>, %arg8: memref<1x80xi32, #tpu.memory_space<vmem>>, %arg9: memref<1x80xi32, #tpu.memory_space<vmem>>, %arg10: memref<10240x128xf32, #tpu.memory_space<vmem_shared>>, %arg11: memref<!tpu.dma_semaphore, #tpu.memory_space<semaphore_mem>>, %arg12: memref<!tpu.dma_semaphore, #tpu.memory_space<semaphore_mem>>) attributes {dimension_semantics = [#tpu.dimension_semantics<core_parallel>, #tpu.dimension_semantics<subcore_parallel>], iteration_bounds = array<i64: 2, 16>, scalar_prefetch = 0 : i64, scratch_operands = 7 : i64, tpu.core_type = #tpu.core_type<sc_vector_subcore>, window_params = [{transform_indices = #map}, {transform_indices = #map1}, {transform_indices = #map}, {transform_indices = #map}]} {
    %mul3A = arith.constant 160000 : i32
    %mul3A_0 = arith.muli %arg0, %mul3A : i32
    %mul3A_1 = arith.constant 10000 : i32
    %mul3A_2 = arith.muli %arg1, %mul3A_1 : i32
    %add3A = arith.addi %mul3A_0, %mul3A_2 : i32
    %mul3A_3 = arith.constant 640 : i32
    %mul3A_4 = arith.muli %arg1, %mul3A_3 : i32
    %broadcast_in_dim3A = arith.constant 0.000000e+00 : f32
    %broadcast_in_dim3A_5 = vector.broadcast %broadcast_in_dim3A : f32 to vector<16xf32>
    %iota3A = tpu.iota {dimensions = array<i32: 0>} : vector<16xi32>
    %add3A_6 = arith.constant 15 : i32
    %add3A_7 = vector.broadcast %add3A_6 : i32 to vector<16xi32>
    %add3A_8 = arith.addi %iota3A, %add3A_7 : vector<16xi32>
    %and3A = arith.constant 15 : i32
    %and3A_9 = vector.broadcast %and3A : i32 to vector<16xi32>
    %and3A_10 = arith.andi %add3A_8, %and3A_9 : vector<16xi32>
    %add3A_11 = arith.constant 1 : i32
    %add3A_12 = vector.broadcast %add3A_11 : i32 to vector<16xi32>
    %add3A_13 = arith.addi %iota3A, %add3A_12 : vector<16xi32>
    %and3A_14 = arith.constant 15 : i32
    %and3A_15 = vector.broadcast %and3A_14 : i32 to vector<16xi32>
    %and3A_16 = arith.andi %add3A_13, %and3A_15 : vector<16xi32>
    %scan3A = arith.constant 0 : i32
    %scan3A_17 = arith.constant 80 : i32
    %scan3A_18 = arith.addi %scan3A, %scan3A_17 : i32
    %scan3A_19 = arith.constant 1 : i32
    scf.for %scan3A_53 = %scan3A to %scan3A_18 step %scan3A_19  : i32 {
      %mul3A_54 = arith.constant 1 : i32
      %mul3A_55 = arith.muli %scan3A_53, %mul3A_54 : i32
      %add3A_56 = arith.constant 0 : i32
      %add3A_57 = arith.addi %add3A_56, %mul3A_55 : i32
      %swap3A = arith.index_cast %add3A_57 : i32 to index
      %swap3A_58 = arith.constant 0 : index
      %swap3A_59 = tpu.vector_load %arg6[%swap3A, %swap3A_58] {strides = array<i32>} : memref<80x128xf32, #tpu.memory_space<vmem>>, vector<16xf32>,
      tpu.vector_store %arg6[%swap3A, %swap3A_58], %broadcast_in_dim3A_5 {strides = array<i32>} : memref<80x128xf32, #tpu.memory_space<vmem>>, vector<16xf32>,
      %swap3A_60 = arith.index_cast %add3A_57 : i32 to index
      %swap3A_61 = arith.constant 16 : index
      %swap3A_62 = tpu.vector_load %arg6[%swap3A_60, %swap3A_61] {strides = array<i32>} : memref<80x128xf32, #tpu.memory_space<vmem>>, vector<16xf32>,
      tpu.vector_store %arg6[%swap3A_60, %swap3A_61], %broadcast_in_dim3A_5 {strides = array<i32>} : memref<80x128xf32, #tpu.memory_space<vmem>>, vector<16xf32>,
      %swap3A_63 = arith.index_cast %add3A_57 : i32 to index
      %swap3A_64 = arith.constant 32 : index
      %swap3A_65 = tpu.vector_load %arg6[%swap3A_63, %swap3A_64] {strides = array<i32>} : memref<80x128xf32, #tpu.memory_space<vmem>>, vector<16xf32>,
      tpu.vector_store %arg6[%swap3A_63, %swap3A_64], %broadcast_in_dim3A_5 {strides = array<i32>} : memref<80x128xf32, #tpu.memory_space<vmem>>, vector<16xf32>,
      %swap3A_66 = arith.index_cast %add3A_57 : i32 to index
      %swap3A_67 = arith.constant 48 : index
      %swap3A_68 = tpu.vector_load %arg6[%swap3A_66, %swap3A_67] {strides = array<i32>} : memref<80x128xf32, #tpu.memory_space<vmem>>, vector<16xf32>,
      tpu.vector_store %arg6[%swap3A_66, %swap3A_67], %broadcast_in_dim3A_5 {strides = array<i32>} : memref<80x128xf32, #tpu.memory_space<vmem>>, vector<16xf32>,
      %swap3A_69 = arith.index_cast %add3A_57 : i32 to index
      %swap3A_70 = arith.constant 64 : index
      %swap3A_71 = tpu.vector_load %arg6[%swap3A_69, %swap3A_70] {strides = array<i32>} : memref<80x128xf32, #tpu.memory_space<vmem>>, vector<16xf32>,
      tpu.vector_store %arg6[%swap3A_69, %swap3A_70], %broadcast_in_dim3A_5 {strides = array<i32>} : memref<80x128xf32, #tpu.memory_space<vmem>>, vector<16xf32>,
      %swap3A_72 = arith.index_cast %add3A_57 : i32 to index
      %swap3A_73 = arith.constant 80 : index
      %swap3A_74 = tpu.vector_load %arg6[%swap3A_72, %swap3A_73] {strides = array<i32>} : memref<80x128xf32, #tpu.memory_space<vmem>>, vector<16xf32>,
      tpu.vector_store %arg6[%swap3A_72, %swap3A_73], %broadcast_in_dim3A_5 {strides = array<i32>} : memref<80x128xf32, #tpu.memory_space<vmem>>, vector<16xf32>,
      %swap3A_75 = arith.index_cast %add3A_57 : i32 to index
      %swap3A_76 = arith.constant 96 : index
      %swap3A_77 = tpu.vector_load %arg6[%swap3A_75, %swap3A_76] {strides = array<i32>} : memref<80x128xf32, #tpu.memory_space<vmem>>, vector<16xf32>,
      tpu.vector_store %arg6[%swap3A_75, %swap3A_76], %broadcast_in_dim3A_5 {strides = array<i32>} : memref<80x128xf32, #tpu.memory_space<vmem>>, vector<16xf32>,
      %swap3A_78 = arith.index_cast %add3A_57 : i32 to index
      %swap3A_79 = arith.constant 112 : index
      %swap3A_80 = tpu.vector_load %arg6[%swap3A_78, %swap3A_79] {strides = array<i32>} : memref<80x128xf32, #tpu.memory_space<vmem>>, vector<16xf32>,
      tpu.vector_store %arg6[%swap3A_78, %swap3A_79], %broadcast_in_dim3A_5 {strides = array<i32>} : memref<80x128xf32, #tpu.memory_space<vmem>>, vector<16xf32>,
    }
    %scan3A_20 = arith.constant 80 : i32
    %scan3A_21 = arith.constant 0 : i32
    %scan3A_22 = arith.constant 8 : i32
    %scan3A_23 = arith.addi %scan3A_21, %scan3A_22 : i32
    %scan3A_24 = arith.constant 1 : i32
    scf.for %scan3A_53 = %scan3A_21 to %scan3A_23 step %scan3A_24  : i32 {
      %mul3A_54 = arith.constant 1 : i32
      %mul3A_55 = arith.muli %scan3A_53, %mul3A_54 : i32
      %add3A_56 = arith.constant 0 : i32
      %add3A_57 = arith.addi %add3A_56, %mul3A_55 : i32
      %mul3A_58 = arith.constant 80 : i32
      %mul3A_59 = arith.muli %add3A_57, %mul3A_58 : i32
      %add3A_60 = arith.addi %mul3A_4, %mul3A_59 : i32
      "tpu.region"() ({
        %run_scoped3A = tpu.sem_alloc : memref<!tpu.dma_semaphore, #tpu.memory_space<semaphore_mem>>
        %dma_start3A_61 = arith.constant 0 : i32
        %dma_start3A_62 = tpu.memref_slice %arg10[%add3A_60, %dma_start3A_61] : memref<10240x128xf32, #tpu.memory_space<vmem_shared>> -> memref<80x128xf32, #tpu.memory_space<vmem_shared>>
        %dma_start3A_63 = arith.constant 0 : i32
        %dma_start3A_64 = tpu.memref_slice %arg10[%add3A_60, %dma_start3A_63] : memref<10240x128xf32, #tpu.memory_space<vmem_shared>> -> memref<80x128xf32, #tpu.memory_space<vmem_shared>>
        tpu.enqueue_dma source(%arg6 : memref<80x128xf32, #tpu.memory_space<vmem>>) target(%dma_start3A_64 : memref<80x128xf32, #tpu.memory_space<vmem_shared>>) target_semaphore(%run_scoped3A : memref<!tpu.dma_semaphore, #tpu.memory_space<semaphore_mem>>)
        %dma_wait3A = arith.constant 0 : i32
        %dma_wait3A_65 = tpu.memref_slice %arg10[%add3A_60, %dma_wait3A] : memref<10240x128xf32, #tpu.memory_space<vmem_shared>> -> memref<80x128xf32, #tpu.memory_space<vmem_shared>>
        %dma_wait3A_66 = arith.constant 0 : i32
        %dma_wait3A_67 = tpu.memref_slice %arg10[%add3A_60, %dma_wait3A_66] : memref<10240x128xf32, #tpu.memory_space<vmem_shared>> -> memref<80x128xf32, #tpu.memory_space<vmem_shared>>
        tpu.wait_dma2 semaphore(%run_scoped3A : memref<!tpu.dma_semaphore, #tpu.memory_space<semaphore_mem>>) src(%arg6 : memref<80x128xf32, #tpu.memory_space<vmem>>) dst(%dma_wait3A_67 : memref<80x128xf32, #tpu.memory_space<vmem_shared>>)
        tpu.yield
      }) : () -> ()
    }
    %scan3A_25 = arith.constant 8 : i32
    %barrier3A = arith.constant 0 : index
    tpu.barrier barrier_id(%barrier3A)
    %add3A_26 = arith.constant 0 : i32
    %add3A_27 = arith.addi %add3A, %add3A_26 : i32
    %dma_start3A = arith.constant 0 : i32
    %dma_start3A_28 = tpu.memref_slice %arg2[%add3A_27, %dma_start3A] : memref<320000x128xf32, #tpu.memory_space<hbm>> -> memref<80x128xf32, #tpu.memory_space<hbm>>
    %dma_start3A_29 = arith.constant 0 : i32
    %dma_start3A_30 = tpu.memref_slice %arg2[%add3A_27, %dma_start3A_29] : memref<320000x128xf32, #tpu.memory_space<hbm>> -> memref<80x128xf32, #tpu.memory_space<hbm>>
    tpu.enqueue_dma source(%dma_start3A_30 : memref<80x128xf32, #tpu.memory_space<hbm>>) target(%arg6 : memref<80x128xf32, #tpu.memory_space<vmem>>) target_semaphore(%arg11 : memref<!tpu.dma_semaphore, #tpu.memory_space<semaphore_mem>>)
    %dma_start3A_31 = arith.constant 0 : i32
    %dma_start3A_32 = arith.constant 0 : i32
    %dma_start3A_33 = tpu.memref_slice %arg8[%dma_start3A_31, %dma_start3A_32] : memref<1x80xi32, #tpu.memory_space<vmem>> -> memref<1x80xi32, #tpu.memory_space<vmem>>
    %dma_start3A_34 = tpu.memref_squeeze %dma_start3A_33 : memref<1x80xi32, #tpu.memory_space<vmem>> -> memref<80xi32, #tpu.memory_space<vmem>>
    %dma_start3A_35 = tpu.memref_slice %arg3[%add3A_27] : memref<320000xi32, #tpu.memory_space<hbm>> -> memref<80xi32, #tpu.memory_space<hbm>>
    %dma_start3A_36 = arith.constant 0 : i32
    %dma_start3A_37 = tpu.memref_slice %arg8[%dma_start3A_31, %dma_start3A_36] : memref<1x80xi32, #tpu.memory_space<vmem>> -> memref<1x80xi32, #tpu.memory_space<vmem>>
    %dma_start3A_38 = tpu.memref_squeeze %dma_start3A_37 : memref<1x80xi32, #tpu.memory_space<vmem>> -> memref<80xi32, #tpu.memory_space<vmem>>
    %dma_start3A_39 = tpu.memref_slice %arg3[%add3A_27] : memref<320000xi32, #tpu.memory_space<hbm>> -> memref<80xi32, #tpu.memory_space<hbm>>
    tpu.enqueue_dma source(%dma_start3A_39 : memref<80xi32, #tpu.memory_space<hbm>>) target(%dma_start3A_38 : memref<80xi32, #tpu.memory_space<vmem>>) target_semaphore(%arg11 : memref<!tpu.dma_semaphore, #tpu.memory_space<semaphore_mem>>)
    %scan3A_40 = arith.constant 0 : i32
    %scan3A_41 = arith.constant 63 : i32
    %scan3A_42 = arith.addi %scan3A_40, %scan3A_41 : i32
    %scan3A_43 = arith.constant 1 : i32
    scf.for %scan3A_53 = %scan3A_40 to %scan3A_42 step %scan3A_43  : i32 {
      %mul3A_54 = arith.constant 2 : i32
      %mul3A_55 = arith.muli %scan3A_53, %mul3A_54 : i32
      %add3A_56 = arith.constant 0 : i32
      %add3A_57 = arith.addi %add3A_56, %mul3A_55 : i32
      %add3A_58 = arith.constant 1 : i32
      %add3A_59 = arith.addi %add3A_57, %add3A_58 : i32
      %mul3A_60 = arith.constant 80 : i32
      %mul3A_61 = arith.muli %add3A_59, %mul3A_60 : i32
      %add3A_62 = arith.addi %add3A, %mul3A_61 : i32
      %dma_start3A_63 = arith.constant 0 : i32
      %dma_start3A_64 = tpu.memref_slice %arg2[%add3A_62, %dma_start3A_63] : memref<320000x128xf32, #tpu.memory_space<hbm>> -> memref<80x128xf32, #tpu.memory_space<hbm>>
      %dma_start3A_65 = arith.constant 0 : i32
      %dma_start3A_66 = tpu.memref_slice %arg2[%add3A_62, %dma_start3A_65] : memref<320000x128xf32, #tpu.memory_space<hbm>> -> memref<80x128xf32, #tpu.memory_space<hbm>>
      tpu.enqueue_dma source(%dma_start3A_66 : memref<80x128xf32, #tpu.memory_space<hbm>>) target(%arg7 : memref<80x128xf32, #tpu.memory_space<vmem>>) target_semaphore(%arg12 : memref<!tpu.dma_semaphore, #tpu.memory_space<semaphore_mem>>)
      %dma_start3A_67 = arith.constant 0 : i32
      %dma_start3A_68 = arith.constant 0 : i32
      %dma_start3A_69 = tpu.memref_slice %arg9[%dma_start3A_67, %dma_start3A_68] : memref<1x80xi32, #tpu.memory_space<vmem>> -> memref<1x80xi32, #tpu.memory_space<vmem>>
      %dma_start3A_70 = tpu.memref_squeeze %dma_start3A_69 : memref<1x80xi32, #tpu.memory_space<vmem>> -> memref<80xi32, #tpu.memory_space<vmem>>
      %dma_start3A_71 = tpu.memref_slice %arg3[%add3A_62] : memref<320000xi32, #tpu.memory_space<hbm>> -> memref<80xi32, #tpu.memory_space<hbm>>
      %dma_start3A_72 = arith.constant 0 : i32
      %dma_start3A_73 = tpu.memref_slice %arg9[%dma_start3A_67, %dma_start3A_72] : memref<1x80xi32, #tpu.memory_space<vmem>> -> memref<1x80xi32, #tpu.memory_space<vmem>>
      %dma_start3A_74 = tpu.memref_squeeze %dma_start3A_73 : memref<1x80xi32, #tpu.memory_space<vmem>> -> memref<80xi32, #tpu.memory_space<vmem>>
      %dma_start3A_75 = tpu.memref_slice %arg3[%add3A_62] : memref<320000xi32, #tpu.memory_space<hbm>> -> memref<80xi32, #tpu.memory_space<hbm>>
      tpu.enqueue_dma source(%dma_start3A_75 : memref<80xi32, #tpu.memory_space<hbm>>) target(%dma_start3A_74 : memref<80xi32, #tpu.memory_space<vmem>>) target_semaphore(%arg12 : memref<!tpu.dma_semaphore, #tpu.memory_space<semaphore_mem>>)
      %mul3A_76 = arith.constant 80 : i32
      %mul3A_77 = arith.muli %add3A_57, %mul3A_76 : i32
      %add3A_78 = arith.addi %add3A, %mul3A_77 : i32
      %dma_wait3A = arith.constant 0 : i32
      %dma_wait3A_79 = tpu.memref_slice %arg2[%add3A_78, %dma_wait3A] : memref<320000x128xf32, #tpu.memory_space<hbm>> -> memref<80x128xf32, #tpu.memory_space<hbm>>
      %dma_wait3A_80 = arith.constant 0 : i32
      %dma_wait3A_81 = tpu.memref_slice %arg2[%add3A_78, %dma_wait3A_80] : memref<320000x128xf32, #tpu.memory_space<hbm>> -> memref<80x128xf32, #tpu.memory_space<hbm>>
      tpu.wait_dma2 semaphore(%arg11 : memref<!tpu.dma_semaphore, #tpu.memory_space<semaphore_mem>>) src(%dma_wait3A_81 : memref<80x128xf32, #tpu.memory_space<hbm>>) dst(%arg6 : memref<80x128xf32, #tpu.memory_space<vmem>>)
      %dma_wait3A_82 = arith.constant 0 : i32
      %dma_wait3A_83 = arith.constant 0 : i32
      %dma_wait3A_84 = tpu.memref_slice %arg8[%dma_wait3A_82, %dma_wait3A_83] : memref<1x80xi32, #tpu.memory_space<vmem>> -> memref<1x80xi32, #tpu.memory_space<vmem>>
      %dma_wait3A_85 = tpu.memref_squeeze %dma_wait3A_84 : memref<1x80xi32, #tpu.memory_space<vmem>> -> memref<80xi32, #tpu.memory_space<vmem>>
      %dma_wait3A_86 = tpu.memref_slice %arg3[%add3A_78] : memref<320000xi32, #tpu.memory_space<hbm>> -> memref<80xi32, #tpu.memory_space<hbm>>
      %dma_wait3A_87 = arith.constant 0 : i32
      %dma_wait3A_88 = tpu.memref_slice %arg8[%dma_wait3A_82, %dma_wait3A_87] : memref<1x80xi32, #tpu.memory_space<vmem>> -> memref<1x80xi32, #tpu.memory_space<vmem>>
      %dma_wait3A_89 = tpu.memref_squeeze %dma_wait3A_88 : memref<1x80xi32, #tpu.memory_space<vmem>> -> memref<80xi32, #tpu.memory_space<vmem>>
      %dma_wait3A_90 = tpu.memref_slice %arg3[%add3A_78] : memref<320000xi32, #tpu.memory_space<hbm>> -> memref<80xi32, #tpu.memory_space<hbm>>
      tpu.wait_dma2 semaphore(%arg11 : memref<!tpu.dma_semaphore, #tpu.memory_space<semaphore_mem>>) src(%dma_wait3A_90 : memref<80xi32, #tpu.memory_space<hbm>>) dst(%dma_wait3A_89 : memref<80xi32, #tpu.memory_space<vmem>>)
      %run_scoped3A = arith.constant 0 : i32
      "tpu.region"() ({
        %run_scoped3A_116 = tpu.sem_alloc : memref<!tpu.dma_semaphore, #tpu.memory_space<semaphore_mem>>
        %dma_start3A_117 = arith.constant 0 : i32
        %dma_start3A_118 = tpu.memref_slice %arg8[%run_scoped3A, %dma_start3A_117] : memref<1x80xi32, #tpu.memory_space<vmem>> -> memref<1x80xi32, #tpu.memory_space<vmem>>
        %dma_start3A_119 = tpu.memref_squeeze %dma_start3A_118 : memref<1x80xi32, #tpu.memory_space<vmem>> -> memref<80xi32, #tpu.memory_space<vmem>>
        %dma_start3A_120 = arith.constant 0 : i32
        %dma_start3A_121 = arith.constant 0 : i32
        %dma_start3A_122 = tpu.memref_slice %arg10[%dma_start3A_120, %dma_start3A_121] : memref<10240x128xf32, #tpu.memory_space<vmem_shared>> -> memref<10240x128xf32, #tpu.memory_space<vmem_shared>>
        tpu.enqueue_indirect_dma source(%arg6 : memref<80x128xf32, #tpu.memory_space<vmem>>) target(%dma_start3A_122 : memref<10240x128xf32, #tpu.memory_space<vmem_shared>>) offsets(%dma_start3A_119 : memref<80xi32, #tpu.memory_space<vmem>>) semaphore(%run_scoped3A_116 : memref<!tpu.dma_semaphore, #tpu.memory_space<semaphore_mem>>) {add = true}
        %dma_wait3A_123 = arith.constant 0 : i32
        %dma_wait3A_124 = tpu.memref_slice %arg8[%run_scoped3A, %dma_wait3A_123] : memref<1x80xi32, #tpu.memory_space<vmem>> -> memref<1x80xi32, #tpu.memory_space<vmem>>
        %dma_wait3A_125 = tpu.memref_squeeze %dma_wait3A_124 : memref<1x80xi32, #tpu.memory_space<vmem>> -> memref<80xi32, #tpu.memory_space<vmem>>
        %dma_wait3A_126 = arith.constant 0 : i32
        %dma_wait3A_127 = arith.constant 0 : i32
        %dma_wait3A_128 = tpu.memref_slice %arg10[%dma_wait3A_126, %dma_wait3A_127] : memref<10240x128xf32, #tpu.memory_space<vmem_shared>> -> memref<10240x128xf32, #tpu.memory_space<vmem_shared>>
        tpu.wait_indirect_dma semaphore(%run_scoped3A_116 : memref<!tpu.dma_semaphore, #tpu.memory_space<semaphore_mem>>) src(%arg6 : memref<80x128xf32, #tpu.memory_space<vmem>>) dst(%dma_wait3A_128 : memref<10240x128xf32, #tpu.memory_space<vmem_shared>>)
        tpu.yield
      }) : () -> ()
      %add3A_91 = arith.constant 2 : i32
      %add3A_92 = arith.addi %add3A_57, %add3A_91 : i32
      %lt3A = arith.constant 125 : i32
      %lt3A_93 = arith.cmpi slt, %add3A_92, %lt3A : i32
      %convert_element_type3A_94 = arith.extui %lt3A_93 : i1 to i32
      %cond3A_95 = arith.constant 0 : i32
      %cond3A_96 = arith.cmpi ne, %convert_element_type3A_94, %cond3A_95 : i32
      scf.if %cond3A_96 {
        %add3A_116 = arith.constant 2 : i32
        %add3A_117 = arith.addi %add3A_57, %add3A_116 : i32
        %mul3A_118 = arith.constant 80 : i32
        %mul3A_119 = arith.muli %add3A_117, %mul3A_118 : i32
        %add3A_120 = arith.addi %add3A, %mul3A_119 : i32
        %dma_start3A_121 = arith.constant 0 : i32
        %dma_start3A_122 = tpu.memref_slice %arg2[%add3A_120, %dma_start3A_121] : memref<320000x128xf32, #tpu.memory_space<hbm>> -> memref<80x128xf32, #tpu.memory_space<hbm>>
        %dma_start3A_123 = arith.constant 0 : i32
        %dma_start3A_124 = tpu.memref_slice %arg2[%add3A_120, %dma_start3A_123] : memref<320000x128xf32, #tpu.memory_space<hbm>> -> memref<80x128xf32, #tpu.memory_space<hbm>>
        tpu.enqueue_dma source(%dma_start3A_124 : memref<80x128xf32, #tpu.memory_space<hbm>>) target(%arg6 : memref<80x128xf32, #tpu.memory_space<vmem>>) target_semaphore(%arg11 : memref<!tpu.dma_semaphore, #tpu.memory_space<semaphore_mem>>)
        %dma_start3A_125 = arith.constant 0 : i32
        %dma_start3A_126 = arith.constant 0 : i32
        %dma_start3A_127 = tpu.memref_slice %arg8[%dma_start3A_125, %dma_start3A_126] : memref<1x80xi32, #tpu.memory_space<vmem>> -> memref<1x80xi32, #tpu.memory_space<vmem>>
        %dma_start3A_128 = tpu.memref_squeeze %dma_start3A_127 : memref<1x80xi32, #tpu.memory_space<vmem>> -> memref<80xi32, #tpu.memory_space<vmem>>
        %dma_start3A_129 = tpu.memref_slice %arg3[%add3A_120] : memref<320000xi32, #tpu.memory_space<hbm>> -> memref<80xi32, #tpu.memory_space<hbm>>
        %dma_start3A_130 = arith.constant 0 : i32
        %dma_start3A_131 = tpu.memref_slice %arg8[%dma_start3A_125, %dma_start3A_130] : memref<1x80xi32, #tpu.memory_space<vmem>> -> memref<1x80xi32, #tpu.memory_space<vmem>>
        %dma_start3A_132 = tpu.memref_squeeze %dma_start3A_131 : memref<1x80xi32, #tpu.memory_space<vmem>> -> memref<80xi32, #tpu.memory_space<vmem>>
        %dma_start3A_133 = tpu.memref_slice %arg3[%add3A_120] : memref<320000xi32, #tpu.memory_space<hbm>> -> memref<80xi32, #tpu.memory_space<hbm>>
        tpu.enqueue_dma source(%dma_start3A_133 : memref<80xi32, #tpu.memory_space<hbm>>) target(%dma_start3A_132 : memref<80xi32, #tpu.memory_space<vmem>>) target_semaphore(%arg11 : memref<!tpu.dma_semaphore, #tpu.memory_space<semaphore_mem>>)
      } else {
      }
      %add3A_97 = arith.constant 1 : i32
      %add3A_98 = arith.addi %add3A_57, %add3A_97 : i32
      %mul3A_99 = arith.constant 80 : i32
      %mul3A_100 = arith.muli %add3A_98, %mul3A_99 : i32
      %add3A_101 = arith.addi %add3A, %mul3A_100 : i32
      %dma_wait3A_102 = arith.constant 0 : i32
      %dma_wait3A_103 = tpu.memref_slice %arg2[%add3A_101, %dma_wait3A_102] : memref<320000x128xf32, #tpu.memory_space<hbm>> -> memref<80x128xf32, #tpu.memory_space<hbm>>
      %dma_wait3A_104 = arith.constant 0 : i32
      %dma_wait3A_105 = tpu.memref_slice %arg2[%add3A_101, %dma_wait3A_104] : memref<320000x128xf32, #tpu.memory_space<hbm>> -> memref<80x128xf32, #tpu.memory_space<hbm>>
      tpu.wait_dma2 semaphore(%arg12 : memref<!tpu.dma_semaphore, #tpu.memory_space<semaphore_mem>>) src(%dma_wait3A_105 : memref<80x128xf32, #tpu.memory_space<hbm>>) dst(%arg7 : memref<80x128xf32, #tpu.memory_space<vmem>>)
      %dma_wait3A_106 = arith.constant 0 : i32
      %dma_wait3A_107 = arith.constant 0 : i32
      %dma_wait3A_108 = tpu.memref_slice %arg9[%dma_wait3A_106, %dma_wait3A_107] : memref<1x80xi32, #tpu.memory_space<vmem>> -> memref<1x80xi32, #tpu.memory_space<vmem>>
      %dma_wait3A_109 = tpu.memref_squeeze %dma_wait3A_108 : memref<1x80xi32, #tpu.memory_space<vmem>> -> memref<80xi32, #tpu.memory_space<vmem>>
      %dma_wait3A_110 = tpu.memref_slice %arg3[%add3A_101] : memref<320000xi32, #tpu.memory_space<hbm>> -> memref<80xi32, #tpu.memory_space<hbm>>
      %dma_wait3A_111 = arith.constant 0 : i32
      %dma_wait3A_112 = tpu.memref_slice %arg9[%dma_wait3A_106, %dma_wait3A_111] : memref<1x80xi32, #tpu.memory_space<vmem>> -> memref<1x80xi32, #tpu.memory_space<vmem>>
      %dma_wait3A_113 = tpu.memref_squeeze %dma_wait3A_112 : memref<1x80xi32, #tpu.memory_space<vmem>> -> memref<80xi32, #tpu.memory_space<vmem>>
      %dma_wait3A_114 = tpu.memref_slice %arg3[%add3A_101] : memref<320000xi32, #tpu.memory_space<hbm>> -> memref<80xi32, #tpu.memory_space<hbm>>
      tpu.wait_dma2 semaphore(%arg12 : memref<!tpu.dma_semaphore, #tpu.memory_space<semaphore_mem>>) src(%dma_wait3A_114 : memref<80xi32, #tpu.memory_space<hbm>>) dst(%dma_wait3A_113 : memref<80xi32, #tpu.memory_space<vmem>>)
      %run_scoped3A_115 = arith.constant 0 : i32
      "tpu.region"() ({
        %run_scoped3A_116 = tpu.sem_alloc : memref<!tpu.dma_semaphore, #tpu.memory_space<semaphore_mem>>
        %dma_start3A_117 = arith.constant 0 : i32
        %dma_start3A_118 = tpu.memref_slice %arg9[%run_scoped3A_115, %dma_start3A_117] : memref<1x80xi32, #tpu.memory_space<vmem>> -> memref<1x80xi32, #tpu.memory_space<vmem>>
        %dma_start3A_119 = tpu.memref_squeeze %dma_start3A_118 : memref<1x80xi32, #tpu.memory_space<vmem>> -> memref<80xi32, #tpu.memory_space<vmem>>
        %dma_start3A_120 = arith.constant 0 : i32
        %dma_start3A_121 = arith.constant 0 : i32
        %dma_start3A_122 = tpu.memref_slice %arg10[%dma_start3A_120, %dma_start3A_121] : memref<10240x128xf32, #tpu.memory_space<vmem_shared>> -> memref<10240x128xf32, #tpu.memory_space<vmem_shared>>
        tpu.enqueue_indirect_dma source(%arg7 : memref<80x128xf32, #tpu.memory_space<vmem>>) target(%dma_start3A_122 : memref<10240x128xf32, #tpu.memory_space<vmem_shared>>) offsets(%dma_start3A_119 : memref<80xi32, #tpu.memory_space<vmem>>) semaphore(%run_scoped3A_116 : memref<!tpu.dma_semaphore, #tpu.memory_space<semaphore_mem>>) {add = true}
        %dma_wait3A_123 = arith.constant 0 : i32
        %dma_wait3A_124 = tpu.memref_slice %arg9[%run_scoped3A_115, %dma_wait3A_123] : memref<1x80xi32, #tpu.memory_space<vmem>> -> memref<1x80xi32, #tpu.memory_space<vmem>>
        %dma_wait3A_125 = tpu.memref_squeeze %dma_wait3A_124 : memref<1x80xi32, #tpu.memory_space<vmem>> -> memref<80xi32, #tpu.memory_space<vmem>>
        %dma_wait3A_126 = arith.constant 0 : i32
        %dma_wait3A_127 = arith.constant 0 : i32
        %dma_wait3A_128 = tpu.memref_slice %arg10[%dma_wait3A_126, %dma_wait3A_127] : memref<10240x128xf32, #tpu.memory_space<vmem_shared>> -> memref<10240x128xf32, #tpu.memory_space<vmem_shared>>
        tpu.wait_indirect_dma semaphore(%run_scoped3A_116 : memref<!tpu.dma_semaphore, #tpu.memory_space<semaphore_mem>>) src(%arg7 : memref<80x128xf32, #tpu.memory_space<vmem>>) dst(%dma_wait3A_128 : memref<10240x128xf32, #tpu.memory_space<vmem_shared>>)
        tpu.yield
      }) : () -> ()
    }
    %scan3A_44 = arith.constant 63 : i32
    %barrier3A_45 = arith.constant 0 : index
    tpu.barrier barrier_id(%barrier3A_45)
    %eq3A = arith.constant 0 : i32
    %eq3A_46 = arith.cmpi eq, %arg0, %eq3A : i32
    %convert_element_type3A = arith.extui %eq3A_46 : i1 to i32
    %cond3A = arith.constant 0 : i32
    %cond3A_47 = arith.cmpi ne, %convert_element_type3A, %cond3A : i32
    scf.if %cond3A_47 {
      %scan3A_53 = arith.constant 0 : i32
      %scan3A_54 = arith.constant 8 : i32
      %scan3A_55 = arith.addi %scan3A_53, %scan3A_54 : i32
      %scan3A_56 = arith.constant 1 : i32
      scf.for %scan3A_58 = %scan3A_53 to %scan3A_55 step %scan3A_56  : i32 {
        %mul3A_59 = arith.constant 1 : i32
        %mul3A_60 = arith.muli %scan3A_58, %mul3A_59 : i32
        %add3A_61 = arith.constant 0 : i32
        %add3A_62 = arith.addi %add3A_61, %mul3A_60 : i32
        %mul3A_63 = arith.constant 80 : i32
        %mul3A_64 = arith.muli %add3A_62, %mul3A_63 : i32
        %add3A_65 = arith.addi %mul3A_4, %mul3A_64 : i32
        "tpu.region"() ({
          %run_scoped3A = tpu.sem_alloc : memref<!tpu.dma_semaphore, #tpu.memory_space<semaphore_mem>>
          %dma_start3A_69 = arith.constant 0 : i32
          %dma_start3A_70 = tpu.memref_slice %arg10[%add3A_65, %dma_start3A_69] : memref<10240x128xf32, #tpu.memory_space<vmem_shared>> -> memref<80x128xf32, #tpu.memory_space<vmem_shared>>
          %dma_start3A_71 = arith.constant 0 : i32
          %dma_start3A_72 = tpu.memref_slice %arg10[%add3A_65, %dma_start3A_71] : memref<10240x128xf32, #tpu.memory_space<vmem_shared>> -> memref<80x128xf32, #tpu.memory_space<vmem_shared>>
          tpu.enqueue_dma source(%dma_start3A_72 : memref<80x128xf32, #tpu.memory_space<vmem_shared>>) target(%arg6 : memref<80x128xf32, #tpu.memory_space<vmem>>) target_semaphore(%run_scoped3A : memref<!tpu.dma_semaphore, #tpu.memory_space<semaphore_mem>>)
          %dma_wait3A = arith.constant 0 : i32
          %dma_wait3A_73 = tpu.memref_slice %arg10[%add3A_65, %dma_wait3A] : memref<10240x128xf32, #tpu.memory_space<vmem_shared>> -> memref<80x128xf32, #tpu.memory_space<vmem_shared>>
          %dma_wait3A_74 = arith.constant 0 : i32
          %dma_wait3A_75 = tpu.memref_slice %arg10[%add3A_65, %dma_wait3A_74] : memref<10240x128xf32, #tpu.memory_space<vmem_shared>> -> memref<80x128xf32, #tpu.memory_space<vmem_shared>>
          tpu.wait_dma2 semaphore(%run_scoped3A : memref<!tpu.dma_semaphore, #tpu.memory_space<semaphore_mem>>) src(%dma_wait3A_75 : memref<80x128xf32, #tpu.memory_space<vmem_shared>>) dst(%arg6 : memref<80x128xf32, #tpu.memory_space<vmem>>)
          tpu.yield
        }) : () -> ()
        %mul3A_66 = arith.constant 80 : i32
        %mul3A_67 = arith.muli %add3A_62, %mul3A_66 : i32
        %add3A_68 = arith.addi %mul3A_4, %mul3A_67 : i32
        "tpu.region"() ({
          %run_scoped3A = tpu.sem_alloc : memref<!tpu.dma_semaphore, #tpu.memory_space<semaphore_mem>>
          %dma_start3A_69 = arith.constant 0 : i32
          %dma_start3A_70 = tpu.memref_slice %arg4[%add3A_68, %dma_start3A_69] : memref<10240x128xf32, #tpu.memory_space<hbm>> -> memref<80x128xf32, #tpu.memory_space<hbm>>
          %dma_start3A_71 = arith.constant 0 : i32
          %dma_start3A_72 = tpu.memref_slice %arg4[%add3A_68, %dma_start3A_71] : memref<10240x128xf32, #tpu.memory_space<hbm>> -> memref<80x128xf32, #tpu.memory_space<hbm>>
          tpu.enqueue_dma source(%arg6 : memref<80x128xf32, #tpu.memory_space<vmem>>) target(%dma_start3A_72 : memref<80x128xf32, #tpu.memory_space<hbm>>) target_semaphore(%run_scoped3A : memref<!tpu.dma_semaphore, #tpu.memory_space<semaphore_mem>>)
          %dma_wait3A = arith.constant 0 : i32
          %dma_wait3A_73 = tpu.memref_slice %arg4[%add3A_68, %dma_wait3A] : memref<10240x128xf32, #tpu.memory_space<hbm>> -> memref<80x128xf32, #tpu.memory_space<hbm>>
          %dma_wait3A_74 = arith.constant 0 : i32
          %dma_wait3A_75 = tpu.memref_slice %arg4[%add3A_68, %dma_wait3A_74] : memref<10240x128xf32, #tpu.memory_space<hbm>> -> memref<80x128xf32, #tpu.memory_space<hbm>>
          tpu.wait_dma2 semaphore(%run_scoped3A : memref<!tpu.dma_semaphore, #tpu.memory_space<semaphore_mem>>) src(%arg6 : memref<80x128xf32, #tpu.memory_space<vmem>>) dst(%dma_wait3A_75 : memref<80x128xf32, #tpu.memory_space<hbm>>)
          tpu.yield
        }) : () -> ()
      }
      %scan3A_57 = arith.constant 8 : i32
    } else {
    }
    %eq3A_48 = arith.constant 1 : i32
    %eq3A_49 = arith.cmpi eq, %arg0, %eq3A_48 : i32
    %convert_element_type3A_50 = arith.extui %eq3A_49 : i1 to i32
    %cond3A_51 = arith.constant 0 : i32
    %cond3A_52 = arith.cmpi ne, %convert_element_type3A_50, %cond3A_51 : i32
    scf.if %cond3A_52 {
      %scan3A_53 = arith.constant 0 : i32
      %scan3A_54 = arith.constant 8 : i32
      %scan3A_55 = arith.addi %scan3A_53, %scan3A_54 : i32
      %scan3A_56 = arith.constant 1 : i32
      scf.for %scan3A_58 = %scan3A_53 to %scan3A_55 step %scan3A_56  : i32 {
        %mul3A_59 = arith.constant 1 : i32
        %mul3A_60 = arith.muli %scan3A_58, %mul3A_59 : i32
        %add3A_61 = arith.constant 0 : i32
        %add3A_62 = arith.addi %add3A_61, %mul3A_60 : i32
        %mul3A_63 = arith.constant 80 : i32
        %mul3A_64 = arith.muli %add3A_62, %mul3A_63 : i32
        %add3A_65 = arith.addi %mul3A_4, %mul3A_64 : i32
        "tpu.region"() ({
          %run_scoped3A = tpu.sem_alloc : memref<!tpu.dma_semaphore, #tpu.memory_space<semaphore_mem>>
          %dma_start3A_69 = arith.constant 0 : i32
          %dma_start3A_70 = tpu.memref_slice %arg10[%add3A_65, %dma_start3A_69] : memref<10240x128xf32, #tpu.memory_space<vmem_shared>> -> memref<80x128xf32, #tpu.memory_space<vmem_shared>>
          %dma_start3A_71 = arith.constant 0 : i32
          %dma_start3A_72 = tpu.memref_slice %arg10[%add3A_65, %dma_start3A_71] : memref<10240x128xf32, #tpu.memory_space<vmem_shared>> -> memref<80x128xf32, #tpu.memory_space<vmem_shared>>
          tpu.enqueue_dma source(%dma_start3A_72 : memref<80x128xf32, #tpu.memory_space<vmem_shared>>) target(%arg6 : memref<80x128xf32, #tpu.memory_space<vmem>>) target_semaphore(%run_scoped3A : memref<!tpu.dma_semaphore, #tpu.memory_space<semaphore_mem>>)
          %dma_wait3A = arith.constant 0 : i32
          %dma_wait3A_73 = tpu.memref_slice %arg10[%add3A_65, %dma_wait3A] : memref<10240x128xf32, #tpu.memory_space<vmem_shared>> -> memref<80x128xf32, #tpu.memory_space<vmem_shared>>
          %dma_wait3A_74 = arith.constant 0 : i32
          %dma_wait3A_75 = tpu.memref_slice %arg10[%add3A_65, %dma_wait3A_74] : memref<10240x128xf32, #tpu.memory_space<vmem_shared>> -> memref<80x128xf32, #tpu.memory_space<vmem_shared>>
          tpu.wait_dma2 semaphore(%run_scoped3A : memref<!tpu.dma_semaphore, #tpu.memory_space<semaphore_mem>>) src(%dma_wait3A_75 : memref<80x128xf32, #tpu.memory_space<vmem_shared>>) dst(%arg6 : memref<80x128xf32, #tpu.memory_space<vmem>>)
          tpu.yield
        }) : () -> ()
        %mul3A_66 = arith.constant 80 : i32
        %mul3A_67 = arith.muli %add3A_62, %mul3A_66 : i32
        %add3A_68 = arith.addi %mul3A_4, %mul3A_67 : i32
        "tpu.region"() ({
          %run_scoped3A = tpu.sem_alloc : memref<!tpu.dma_semaphore, #tpu.memory_space<semaphore_mem>>
          %dma_start3A_69 = arith.constant 0 : i32
          %dma_start3A_70 = tpu.memref_slice %arg5[%add3A_68, %dma_start3A_69] : memref<10240x128xf32, #tpu.memory_space<hbm>> -> memref<80x128xf32, #tpu.memory_space<hbm>>
          %dma_start3A_71 = arith.constant 0 : i32
          %dma_start3A_72 = tpu.memref_slice %arg5[%add3A_68, %dma_start3A_71] : memref<10240x128xf32, #tpu.memory_space<hbm>> -> memref<80x128xf32, #tpu.memory_space<hbm>>
          tpu.enqueue_dma source(%arg6 : memref<80x128xf32, #tpu.memory_space<vmem>>) target(%dma_start3A_72 : memref<80x128xf32, #tpu.memory_space<hbm>>) target_semaphore(%run_scoped3A : memref<!tpu.dma_semaphore, #tpu.memory_space<semaphore_mem>>)
          %dma_wait3A = arith.constant 0 : i32
          %dma_wait3A_73 = tpu.memref_slice %arg5[%add3A_68, %dma_wait3A] : memref<10240x128xf32, #tpu.memory_space<hbm>> -> memref<80x128xf32, #tpu.memory_space<hbm>>
          %dma_wait3A_74 = arith.constant 0 : i32
          %dma_wait3A_75 = tpu.memref_slice %arg5[%add3A_68, %dma_wait3A_74] : memref<10240x128xf32, #tpu.memory_space<hbm>> -> memref<80x128xf32, #tpu.memory_space<hbm>>
          tpu.wait_dma2 semaphore(%run_scoped3A : memref<!tpu.dma_semaphore, #tpu.memory_space<semaphore_mem>>) src(%arg6 : memref<80x128xf32, #tpu.memory_space<vmem>>) dst(%dma_wait3A_75 : memref<80x128xf32, #tpu.memory_space<hbm>>)
          tpu.yield
        }) : () -> ()
      }
      %scan3A_57 = arith.constant 8 : i32
    } else {
    }
    return
  }
}

#map = affine_map<(d0, d1) -> (0, 0)>
#map1 = affine_map<(d0, d1) -> (0)>
module attributes {stable_mosaic.version = 14 : i64} {
  func.func @body(%arg0: i32, %arg1: i32, %arg2: memref<320000x128xf32, #tpu.memory_space<hbm>>, %arg3: memref<320000xi32, #tpu.memory_space<hbm>>, %arg4: memref<10240x128xf32, #tpu.memory_space<hbm>>, %arg5: memref<10240x128xf32, #tpu.memory_space<hbm>>, %arg6: memref<32x10240xf32, #tpu.memory_space<hbm>>, %arg7: memref<80x128xf32, #tpu.memory_space<vmem>>, %arg8: memref<80x128xf32, #tpu.memory_space<vmem>>, %arg9: memref<1x80xi32, #tpu.memory_space<vmem>>, %arg10: memref<1x80xi32, #tpu.memory_space<vmem>>, %arg11: memref<10240xf32, #tpu.memory_space<vmem>>, %arg12: memref<10240x128xf32, #tpu.memory_space<vmem_shared>>, %arg13: memref<!tpu.dma_semaphore, #tpu.memory_space<semaphore_mem>>, %arg14: memref<!tpu.dma_semaphore, #tpu.memory_space<semaphore_mem>>) attributes {dimension_semantics = [#tpu.dimension_semantics<core_parallel>, #tpu.dimension_semantics<subcore_parallel>], iteration_bounds = array<i64: 2, 16>, scalar_prefetch = 0 : i64, scratch_operands = 8 : i64, tpu.core_type = #tpu.core_type<sc_vector_subcore>, window_params = [{transform_indices = #map}, {transform_indices = #map1}, {transform_indices = #map}, {transform_indices = #map}, {transform_indices = #map}]} {
    %mul3A = arith.constant 160000 : i32
    %mul3A_0 = arith.muli %arg0, %mul3A : i32
    %mul3A_1 = arith.constant 10000 : i32
    %mul3A_2 = arith.muli %arg1, %mul3A_1 : i32
    %add3A = arith.addi %mul3A_0, %mul3A_2 : i32
    %mul3A_3 = arith.constant 640 : i32
    %mul3A_4 = arith.muli %arg1, %mul3A_3 : i32
    %broadcast_in_dim3A = arith.constant 0.000000e+00 : f32
    %broadcast_in_dim3A_5 = vector.broadcast %broadcast_in_dim3A : f32 to vector<16xf32>
    %iota3A = tpu.iota {dimensions = array<i32: 0>} : vector<16xi32>
    %add3A_6 = arith.constant 15 : i32
    %add3A_7 = vector.broadcast %add3A_6 : i32 to vector<16xi32>
    %add3A_8 = arith.addi %iota3A, %add3A_7 : vector<16xi32>
    %and3A = arith.constant 15 : i32
    %and3A_9 = vector.broadcast %and3A : i32 to vector<16xi32>
    %and3A_10 = arith.andi %add3A_8, %and3A_9 : vector<16xi32>
    %add3A_11 = arith.constant 1 : i32
    %add3A_12 = vector.broadcast %add3A_11 : i32 to vector<16xi32>
    %add3A_13 = arith.addi %iota3A, %add3A_12 : vector<16xi32>
    %and3A_14 = arith.constant 15 : i32
    %and3A_15 = vector.broadcast %and3A_14 : i32 to vector<16xi32>
    %and3A_16 = arith.andi %add3A_13, %and3A_15 : vector<16xi32>
    %scan3A = arith.constant 0 : i32
    %scan3A_17 = arith.constant 80 : i32
    %scan3A_18 = arith.addi %scan3A, %scan3A_17 : i32
    %scan3A_19 = arith.constant 1 : i32
    scf.for %scan3A_61 = %scan3A to %scan3A_18 step %scan3A_19  : i32 {
      %mul3A_62 = arith.constant 1 : i32
      %mul3A_63 = arith.muli %scan3A_61, %mul3A_62 : i32
      %add3A_64 = arith.constant 0 : i32
      %add3A_65 = arith.addi %add3A_64, %mul3A_63 : i32
      %swap3A = arith.index_cast %add3A_65 : i32 to index
      %swap3A_66 = arith.constant 0 : index
      %swap3A_67 = tpu.vector_load %arg7[%swap3A, %swap3A_66] {strides = array<i32>} : memref<80x128xf32, #tpu.memory_space<vmem>>, vector<16xf32>,
      tpu.vector_store %arg7[%swap3A, %swap3A_66], %broadcast_in_dim3A_5 {strides = array<i32>} : memref<80x128xf32, #tpu.memory_space<vmem>>, vector<16xf32>,
      %swap3A_68 = arith.index_cast %add3A_65 : i32 to index
      %swap3A_69 = arith.constant 16 : index
      %swap3A_70 = tpu.vector_load %arg7[%swap3A_68, %swap3A_69] {strides = array<i32>} : memref<80x128xf32, #tpu.memory_space<vmem>>, vector<16xf32>,
      tpu.vector_store %arg7[%swap3A_68, %swap3A_69], %broadcast_in_dim3A_5 {strides = array<i32>} : memref<80x128xf32, #tpu.memory_space<vmem>>, vector<16xf32>,
      %swap3A_71 = arith.index_cast %add3A_65 : i32 to index
      %swap3A_72 = arith.constant 32 : index
      %swap3A_73 = tpu.vector_load %arg7[%swap3A_71, %swap3A_72] {strides = array<i32>} : memref<80x128xf32, #tpu.memory_space<vmem>>, vector<16xf32>,
      tpu.vector_store %arg7[%swap3A_71, %swap3A_72], %broadcast_in_dim3A_5 {strides = array<i32>} : memref<80x128xf32, #tpu.memory_space<vmem>>, vector<16xf32>,
      %swap3A_74 = arith.index_cast %add3A_65 : i32 to index
      %swap3A_75 = arith.constant 48 : index
      %swap3A_76 = tpu.vector_load %arg7[%swap3A_74, %swap3A_75] {strides = array<i32>} : memref<80x128xf32, #tpu.memory_space<vmem>>, vector<16xf32>,
      tpu.vector_store %arg7[%swap3A_74, %swap3A_75], %broadcast_in_dim3A_5 {strides = array<i32>} : memref<80x128xf32, #tpu.memory_space<vmem>>, vector<16xf32>,
      %swap3A_77 = arith.index_cast %add3A_65 : i32 to index
      %swap3A_78 = arith.constant 64 : index
      %swap3A_79 = tpu.vector_load %arg7[%swap3A_77, %swap3A_78] {strides = array<i32>} : memref<80x128xf32, #tpu.memory_space<vmem>>, vector<16xf32>,
      tpu.vector_store %arg7[%swap3A_77, %swap3A_78], %broadcast_in_dim3A_5 {strides = array<i32>} : memref<80x128xf32, #tpu.memory_space<vmem>>, vector<16xf32>,
      %swap3A_80 = arith.index_cast %add3A_65 : i32 to index
      %swap3A_81 = arith.constant 80 : index
      %swap3A_82 = tpu.vector_load %arg7[%swap3A_80, %swap3A_81] {strides = array<i32>} : memref<80x128xf32, #tpu.memory_space<vmem>>, vector<16xf32>,
      tpu.vector_store %arg7[%swap3A_80, %swap3A_81], %broadcast_in_dim3A_5 {strides = array<i32>} : memref<80x128xf32, #tpu.memory_space<vmem>>, vector<16xf32>,
      %swap3A_83 = arith.index_cast %add3A_65 : i32 to index
      %swap3A_84 = arith.constant 96 : index
      %swap3A_85 = tpu.vector_load %arg7[%swap3A_83, %swap3A_84] {strides = array<i32>} : memref<80x128xf32, #tpu.memory_space<vmem>>, vector<16xf32>,
      tpu.vector_store %arg7[%swap3A_83, %swap3A_84], %broadcast_in_dim3A_5 {strides = array<i32>} : memref<80x128xf32, #tpu.memory_space<vmem>>, vector<16xf32>,
      %swap3A_86 = arith.index_cast %add3A_65 : i32 to index
      %swap3A_87 = arith.constant 112 : index
      %swap3A_88 = tpu.vector_load %arg7[%swap3A_86, %swap3A_87] {strides = array<i32>} : memref<80x128xf32, #tpu.memory_space<vmem>>, vector<16xf32>,
      tpu.vector_store %arg7[%swap3A_86, %swap3A_87], %broadcast_in_dim3A_5 {strides = array<i32>} : memref<80x128xf32, #tpu.memory_space<vmem>>, vector<16xf32>,
    }
    %scan3A_20 = arith.constant 80 : i32
    %scan3A_21 = arith.constant 0 : i32
    %scan3A_22 = arith.constant 640 : i32
    %scan3A_23 = arith.addi %scan3A_21, %scan3A_22 : i32
    %scan3A_24 = arith.constant 1 : i32
    scf.for %scan3A_61 = %scan3A_21 to %scan3A_23 step %scan3A_24  : i32 {
      %mul3A_62 = arith.constant 1 : i32
      %mul3A_63 = arith.muli %scan3A_61, %mul3A_62 : i32
      %add3A_64 = arith.constant 0 : i32
      %add3A_65 = arith.addi %add3A_64, %mul3A_63 : i32
      %mul3A_66 = arith.constant 16 : i32
      %mul3A_67 = arith.muli %add3A_65, %mul3A_66 : i32
      %swap3A = arith.index_cast %mul3A_67 : i32 to index
      %swap3A_68 = tpu.vector_load %arg11[%swap3A] {strides = array<i32>} : memref<10240xf32, #tpu.memory_space<vmem>>, vector<16xf32>,
      tpu.vector_store %arg11[%swap3A], %broadcast_in_dim3A_5 {strides = array<i32>} : memref<10240xf32, #tpu.memory_space<vmem>>, vector<16xf32>,
    }
    %scan3A_25 = arith.constant 640 : i32
    %scan3A_26 = arith.constant 0 : i32
    %scan3A_27 = arith.constant 8 : i32
    %scan3A_28 = arith.addi %scan3A_26, %scan3A_27 : i32
    %scan3A_29 = arith.constant 1 : i32
    scf.for %scan3A_61 = %scan3A_26 to %scan3A_28 step %scan3A_29  : i32 {
      %mul3A_62 = arith.constant 1 : i32
      %mul3A_63 = arith.muli %scan3A_61, %mul3A_62 : i32
      %add3A_64 = arith.constant 0 : i32
      %add3A_65 = arith.addi %add3A_64, %mul3A_63 : i32
      %mul3A_66 = arith.constant 80 : i32
      %mul3A_67 = arith.muli %add3A_65, %mul3A_66 : i32
      %add3A_68 = arith.addi %mul3A_4, %mul3A_67 : i32
      "tpu.region"() ({
        %run_scoped3A = tpu.sem_alloc : memref<!tpu.dma_semaphore, #tpu.memory_space<semaphore_mem>>
        %dma_start3A_69 = arith.constant 0 : i32
        %dma_start3A_70 = tpu.memref_slice %arg12[%add3A_68, %dma_start3A_69] : memref<10240x128xf32, #tpu.memory_space<vmem_shared>> -> memref<80x128xf32, #tpu.memory_space<vmem_shared>>
        %dma_start3A_71 = arith.constant 0 : i32
        %dma_start3A_72 = tpu.memref_slice %arg12[%add3A_68, %dma_start3A_71] : memref<10240x128xf32, #tpu.memory_space<vmem_shared>> -> memref<80x128xf32, #tpu.memory_space<vmem_shared>>
        tpu.enqueue_dma source(%arg7 : memref<80x128xf32, #tpu.memory_space<vmem>>) target(%dma_start3A_72 : memref<80x128xf32, #tpu.memory_space<vmem_shared>>) target_semaphore(%run_scoped3A : memref<!tpu.dma_semaphore, #tpu.memory_space<semaphore_mem>>)
        %dma_wait3A = arith.constant 0 : i32
        %dma_wait3A_73 = tpu.memref_slice %arg12[%add3A_68, %dma_wait3A] : memref<10240x128xf32, #tpu.memory_space<vmem_shared>> -> memref<80x128xf32, #tpu.memory_space<vmem_shared>>
        %dma_wait3A_74 = arith.constant 0 : i32
        %dma_wait3A_75 = tpu.memref_slice %arg12[%add3A_68, %dma_wait3A_74] : memref<10240x128xf32, #tpu.memory_space<vmem_shared>> -> memref<80x128xf32, #tpu.memory_space<vmem_shared>>
        tpu.wait_dma2 semaphore(%run_scoped3A : memref<!tpu.dma_semaphore, #tpu.memory_space<semaphore_mem>>) src(%arg7 : memref<80x128xf32, #tpu.memory_space<vmem>>) dst(%dma_wait3A_75 : memref<80x128xf32, #tpu.memory_space<vmem_shared>>)
        tpu.yield
      }) : () -> ()
    }
    %scan3A_30 = arith.constant 8 : i32
    %barrier3A = arith.constant 0 : index
    tpu.barrier barrier_id(%barrier3A)
    %add3A_31 = arith.constant 0 : i32
    %add3A_32 = arith.addi %add3A, %add3A_31 : i32
    %dma_start3A = arith.constant 0 : i32
    %dma_start3A_33 = tpu.memref_slice %arg2[%add3A_32, %dma_start3A] : memref<320000x128xf32, #tpu.memory_space<hbm>> -> memref<80x128xf32, #tpu.memory_space<hbm>>
    %dma_start3A_34 = arith.constant 0 : i32
    %dma_start3A_35 = tpu.memref_slice %arg2[%add3A_32, %dma_start3A_34] : memref<320000x128xf32, #tpu.memory_space<hbm>> -> memref<80x128xf32, #tpu.memory_space<hbm>>
    tpu.enqueue_dma source(%dma_start3A_35 : memref<80x128xf32, #tpu.memory_space<hbm>>) target(%arg7 : memref<80x128xf32, #tpu.memory_space<vmem>>) target_semaphore(%arg13 : memref<!tpu.dma_semaphore, #tpu.memory_space<semaphore_mem>>)
    %dma_start3A_36 = arith.constant 0 : i32
    %dma_start3A_37 = arith.constant 0 : i32
    %dma_start3A_38 = tpu.memref_slice %arg9[%dma_start3A_36, %dma_start3A_37] : memref<1x80xi32, #tpu.memory_space<vmem>> -> memref<1x80xi32, #tpu.memory_space<vmem>>
    %dma_start3A_39 = tpu.memref_squeeze %dma_start3A_38 : memref<1x80xi32, #tpu.memory_space<vmem>> -> memref<80xi32, #tpu.memory_space<vmem>>
    %dma_start3A_40 = tpu.memref_slice %arg3[%add3A_32] : memref<320000xi32, #tpu.memory_space<hbm>> -> memref<80xi32, #tpu.memory_space<hbm>>
    %dma_start3A_41 = arith.constant 0 : i32
    %dma_start3A_42 = tpu.memref_slice %arg9[%dma_start3A_36, %dma_start3A_41] : memref<1x80xi32, #tpu.memory_space<vmem>> -> memref<1x80xi32, #tpu.memory_space<vmem>>
    %dma_start3A_43 = tpu.memref_squeeze %dma_start3A_42 : memref<1x80xi32, #tpu.memory_space<vmem>> -> memref<80xi32, #tpu.memory_space<vmem>>
    %dma_start3A_44 = tpu.memref_slice %arg3[%add3A_32] : memref<320000xi32, #tpu.memory_space<hbm>> -> memref<80xi32, #tpu.memory_space<hbm>>
    tpu.enqueue_dma source(%dma_start3A_44 : memref<80xi32, #tpu.memory_space<hbm>>) target(%dma_start3A_43 : memref<80xi32, #tpu.memory_space<vmem>>) target_semaphore(%arg13 : memref<!tpu.dma_semaphore, #tpu.memory_space<semaphore_mem>>)
    %scan3A_45 = arith.constant 0 : i32
    %scan3A_46 = arith.constant 63 : i32
    %scan3A_47 = arith.addi %scan3A_45, %scan3A_46 : i32
    %scan3A_48 = arith.constant 1 : i32
    scf.for %scan3A_61 = %scan3A_45 to %scan3A_47 step %scan3A_48  : i32 {
      %mul3A_62 = arith.constant 2 : i32
      %mul3A_63 = arith.muli %scan3A_61, %mul3A_62 : i32
      %add3A_64 = arith.constant 0 : i32
      %add3A_65 = arith.addi %add3A_64, %mul3A_63 : i32
      %add3A_66 = arith.constant 1 : i32
      %add3A_67 = arith.addi %add3A_65, %add3A_66 : i32
      %mul3A_68 = arith.constant 80 : i32
      %mul3A_69 = arith.muli %add3A_67, %mul3A_68 : i32
      %add3A_70 = arith.addi %add3A, %mul3A_69 : i32
      %dma_start3A_71 = arith.constant 0 : i32
      %dma_start3A_72 = tpu.memref_slice %arg2[%add3A_70, %dma_start3A_71] : memref<320000x128xf32, #tpu.memory_space<hbm>> -> memref<80x128xf32, #tpu.memory_space<hbm>>
      %dma_start3A_73 = arith.constant 0 : i32
      %dma_start3A_74 = tpu.memref_slice %arg2[%add3A_70, %dma_start3A_73] : memref<320000x128xf32, #tpu.memory_space<hbm>> -> memref<80x128xf32, #tpu.memory_space<hbm>>
      tpu.enqueue_dma source(%dma_start3A_74 : memref<80x128xf32, #tpu.memory_space<hbm>>) target(%arg8 : memref<80x128xf32, #tpu.memory_space<vmem>>) target_semaphore(%arg14 : memref<!tpu.dma_semaphore, #tpu.memory_space<semaphore_mem>>)
      %dma_start3A_75 = arith.constant 0 : i32
      %dma_start3A_76 = arith.constant 0 : i32
      %dma_start3A_77 = tpu.memref_slice %arg10[%dma_start3A_75, %dma_start3A_76] : memref<1x80xi32, #tpu.memory_space<vmem>> -> memref<1x80xi32, #tpu.memory_space<vmem>>
      %dma_start3A_78 = tpu.memref_squeeze %dma_start3A_77 : memref<1x80xi32, #tpu.memory_space<vmem>> -> memref<80xi32, #tpu.memory_space<vmem>>
      %dma_start3A_79 = tpu.memref_slice %arg3[%add3A_70] : memref<320000xi32, #tpu.memory_space<hbm>> -> memref<80xi32, #tpu.memory_space<hbm>>
      %dma_start3A_80 = arith.constant 0 : i32
      %dma_start3A_81 = tpu.memref_slice %arg10[%dma_start3A_75, %dma_start3A_80] : memref<1x80xi32, #tpu.memory_space<vmem>> -> memref<1x80xi32, #tpu.memory_space<vmem>>
      %dma_start3A_82 = tpu.memref_squeeze %dma_start3A_81 : memref<1x80xi32, #tpu.memory_space<vmem>> -> memref<80xi32, #tpu.memory_space<vmem>>
      %dma_start3A_83 = tpu.memref_slice %arg3[%add3A_70] : memref<320000xi32, #tpu.memory_space<hbm>> -> memref<80xi32, #tpu.memory_space<hbm>>
      tpu.enqueue_dma source(%dma_start3A_83 : memref<80xi32, #tpu.memory_space<hbm>>) target(%dma_start3A_82 : memref<80xi32, #tpu.memory_space<vmem>>) target_semaphore(%arg14 : memref<!tpu.dma_semaphore, #tpu.memory_space<semaphore_mem>>)
      %mul3A_84 = arith.constant 80 : i32
      %mul3A_85 = arith.muli %add3A_65, %mul3A_84 : i32
      %add3A_86 = arith.addi %add3A, %mul3A_85 : i32
      %dma_wait3A = arith.constant 0 : i32
      %dma_wait3A_87 = tpu.memref_slice %arg2[%add3A_86, %dma_wait3A] : memref<320000x128xf32, #tpu.memory_space<hbm>> -> memref<80x128xf32, #tpu.memory_space<hbm>>
      %dma_wait3A_88 = arith.constant 0 : i32
      %dma_wait3A_89 = tpu.memref_slice %arg2[%add3A_86, %dma_wait3A_88] : memref<320000x128xf32, #tpu.memory_space<hbm>> -> memref<80x128xf32, #tpu.memory_space<hbm>>
      tpu.wait_dma2 semaphore(%arg13 : memref<!tpu.dma_semaphore, #tpu.memory_space<semaphore_mem>>) src(%dma_wait3A_89 : memref<80x128xf32, #tpu.memory_space<hbm>>) dst(%arg7 : memref<80x128xf32, #tpu.memory_space<vmem>>)
      %dma_wait3A_90 = arith.constant 0 : i32
      %dma_wait3A_91 = arith.constant 0 : i32
      %dma_wait3A_92 = tpu.memref_slice %arg9[%dma_wait3A_90, %dma_wait3A_91] : memref<1x80xi32, #tpu.memory_space<vmem>> -> memref<1x80xi32, #tpu.memory_space<vmem>>
      %dma_wait3A_93 = tpu.memref_squeeze %dma_wait3A_92 : memref<1x80xi32, #tpu.memory_space<vmem>> -> memref<80xi32, #tpu.memory_space<vmem>>
      %dma_wait3A_94 = tpu.memref_slice %arg3[%add3A_86] : memref<320000xi32, #tpu.memory_space<hbm>> -> memref<80xi32, #tpu.memory_space<hbm>>
      %dma_wait3A_95 = arith.constant 0 : i32
      %dma_wait3A_96 = tpu.memref_slice %arg9[%dma_wait3A_90, %dma_wait3A_95] : memref<1x80xi32, #tpu.memory_space<vmem>> -> memref<1x80xi32, #tpu.memory_space<vmem>>
      %dma_wait3A_97 = tpu.memref_squeeze %dma_wait3A_96 : memref<1x80xi32, #tpu.memory_space<vmem>> -> memref<80xi32, #tpu.memory_space<vmem>>
      %dma_wait3A_98 = tpu.memref_slice %arg3[%add3A_86] : memref<320000xi32, #tpu.memory_space<hbm>> -> memref<80xi32, #tpu.memory_space<hbm>>
      tpu.wait_dma2 semaphore(%arg13 : memref<!tpu.dma_semaphore, #tpu.memory_space<semaphore_mem>>) src(%dma_wait3A_98 : memref<80xi32, #tpu.memory_space<hbm>>) dst(%dma_wait3A_97 : memref<80xi32, #tpu.memory_space<vmem>>)
      %run_scoped3A = arith.constant 0 : i32
      "tpu.region"() ({
        %run_scoped3A_134 = tpu.sem_alloc : memref<!tpu.dma_semaphore, #tpu.memory_space<semaphore_mem>>
        %dma_start3A_135 = arith.constant 0 : i32
        %dma_start3A_136 = tpu.memref_slice %arg9[%run_scoped3A, %dma_start3A_135] : memref<1x80xi32, #tpu.memory_space<vmem>> -> memref<1x80xi32, #tpu.memory_space<vmem>>
        %dma_start3A_137 = tpu.memref_squeeze %dma_start3A_136 : memref<1x80xi32, #tpu.memory_space<vmem>> -> memref<80xi32, #tpu.memory_space<vmem>>
        %dma_start3A_138 = arith.constant 0 : i32
        %dma_start3A_139 = arith.constant 0 : i32
        %dma_start3A_140 = tpu.memref_slice %arg12[%dma_start3A_138, %dma_start3A_139] : memref<10240x128xf32, #tpu.memory_space<vmem_shared>> -> memref<10240x128xf32, #tpu.memory_space<vmem_shared>>
        tpu.enqueue_indirect_dma source(%arg7 : memref<80x128xf32, #tpu.memory_space<vmem>>) target(%dma_start3A_140 : memref<10240x128xf32, #tpu.memory_space<vmem_shared>>) offsets(%dma_start3A_137 : memref<80xi32, #tpu.memory_space<vmem>>) semaphore(%run_scoped3A_134 : memref<!tpu.dma_semaphore, #tpu.memory_space<semaphore_mem>>) {add = true}
        %dma_wait3A_141 = arith.constant 0 : i32
        %dma_wait3A_142 = tpu.memref_slice %arg9[%run_scoped3A, %dma_wait3A_141] : memref<1x80xi32, #tpu.memory_space<vmem>> -> memref<1x80xi32, #tpu.memory_space<vmem>>
        %dma_wait3A_143 = tpu.memref_squeeze %dma_wait3A_142 : memref<1x80xi32, #tpu.memory_space<vmem>> -> memref<80xi32, #tpu.memory_space<vmem>>
        %dma_wait3A_144 = arith.constant 0 : i32
        %dma_wait3A_145 = arith.constant 0 : i32
        %dma_wait3A_146 = tpu.memref_slice %arg12[%dma_wait3A_144, %dma_wait3A_145] : memref<10240x128xf32, #tpu.memory_space<vmem_shared>> -> memref<10240x128xf32, #tpu.memory_space<vmem_shared>>
        tpu.wait_indirect_dma semaphore(%run_scoped3A_134 : memref<!tpu.dma_semaphore, #tpu.memory_space<semaphore_mem>>) src(%arg7 : memref<80x128xf32, #tpu.memory_space<vmem>>) dst(%dma_wait3A_146 : memref<10240x128xf32, #tpu.memory_space<vmem_shared>>)
        tpu.yield
      }) : () -> ()
      %scan3A_99 = arith.constant 0 : i32
      %scan3A_100 = arith.constant 5 : i32
      %scan3A_101 = arith.addi %scan3A_99, %scan3A_100 : i32
      %scan3A_102 = arith.constant 1 : i32
      scf.for %scan3A_134 = %scan3A_99 to %scan3A_101 step %scan3A_102  : i32 {
        %mul3A_135 = arith.constant 1 : i32
        %mul3A_136 = arith.muli %scan3A_134, %mul3A_135 : i32
        %add3A_137 = arith.constant 0 : i32
        %add3A_138 = arith.addi %add3A_137, %mul3A_136 : i32
        %mul3A_139 = arith.constant 16 : i32
        %mul3A_140 = arith.muli %add3A_138, %mul3A_139 : i32
        %get3A = arith.constant 0 : i32
        %get3A_141 = arith.index_cast %get3A : i32 to index
        %get3A_142 = arith.index_cast %mul3A_140 : i32 to index
        %get3A_143 = tpu.vector_load %arg9[%get3A_141, %get3A_142] {strides = array<i32>} : memref<1x80xi32, #tpu.memory_space<vmem>>, vector<16xi32>,
        %eq3A_144 = arith.constant 0 : i32
        %eq3A_145 = vector.broadcast %eq3A_144 : i32 to vector<16xi32>
        %eq3A_146 = arith.cmpi eq, %iota3A, %eq3A_145 : vector<16xi32>
        %lt3A_147 = arith.constant 0 : i32
        %lt3A_148 = vector.broadcast %lt3A_147 : i32 to vector<16xi32>
        %lt3A_149 = arith.cmpi slt, %and3A_10, %lt3A_148 : vector<16xi32>
        %add3A_150 = arith.constant 16 : i32
        %add3A_151 = vector.broadcast %add3A_150 : i32 to vector<16xi32>
        %add3A_152 = arith.addi %and3A_10, %add3A_151 : vector<16xi32>
        %select_n3A = arith.select %lt3A_149, %add3A_152, %and3A_10 : vector<16xi1>, vector<16xi32>
        %broadcast_in_dim3A_153 = vector.shape_cast %select_n3A : vector<16xi32> to vector<16x1xi32>
        %gather3A = vector.shape_cast %broadcast_in_dim3A_153 : vector<16x1xi32> to vector<16xi32>
        %gather3A_154 = tpu.dynamic_gather %get3A_143[%gather3A] in [0] : vector<16xi32>, vector<16xi32> -> vector<16xi32>
        %jit3A = arith.constant -1 : i32
        %broadcast_in_dim3A_155 = vector.broadcast %jit3A : i32 to vector<16xi32>
        %select_n3A_156 = arith.select %eq3A_146, %broadcast_in_dim3A_155, %gather3A_154 : vector<16xi1>, vector<16xi32>
        %lt3A_157 = arith.constant 0 : i32
        %lt3A_158 = vector.broadcast %lt3A_157 : i32 to vector<16xi32>
        %lt3A_159 = arith.cmpi slt, %and3A_16, %lt3A_158 : vector<16xi32>
        %add3A_160 = arith.constant 16 : i32
        %add3A_161 = vector.broadcast %add3A_160 : i32 to vector<16xi32>
        %add3A_162 = arith.addi %and3A_16, %add3A_161 : vector<16xi32>
        %select_n3A_163 = arith.select %lt3A_159, %add3A_162, %and3A_16 : vector<16xi1>, vector<16xi32>
        %broadcast_in_dim3A_164 = vector.shape_cast %select_n3A_163 : vector<16xi32> to vector<16x1xi32>
        %gather3A_165 = vector.shape_cast %broadcast_in_dim3A_164 : vector<16x1xi32> to vector<16xi32>
        %gather3A_166 = tpu.dynamic_gather %get3A_143[%gather3A_165] in [0] : vector<16xi32>, vector<16xi32> -> vector<16xi32>
        %ne3A = arith.cmpi ne, %select_n3A_156, %get3A_143 : vector<16xi32>
        %eq3A_167 = arith.constant 15 : i32
        %eq3A_168 = vector.broadcast %eq3A_167 : i32 to vector<16xi32>
        %eq3A_169 = arith.cmpi eq, %iota3A, %eq3A_168 : vector<16xi32>
        %ne3A_170 = arith.cmpi ne, %get3A_143, %gather3A_166 : vector<16xi32>
        %or3A = arith.ori %eq3A_169, %ne3A_170 : vector<16xi1>
        %jit3A_171 = arith.constant 0 : i32
        %broadcast_in_dim3A_172 = vector.broadcast %jit3A_171 : i32 to vector<16xi32>
        %select_n3A_173 = arith.select %ne3A, %iota3A, %broadcast_in_dim3A_172 : vector<16xi1>, vector<16xi32>
        %broadcast_in_dim3A_174 = arith.constant true
        %broadcast_in_dim3A_175 = vector.broadcast %broadcast_in_dim3A_174 : i1 to vector<16xi1>
        %masked_cummax3A = arith.constant -2147483648 : i32
        %masked_cummax3A_176 = vector.broadcast %masked_cummax3A : i32 to vector<16xi32>
        %masked_cummax3A_177 = arith.xori %select_n3A_173, %masked_cummax3A_176 : vector<16xi32>
        %masked_cummax3A_178 = tpu.scan <max>, %masked_cummax3A_177 masked %broadcast_in_dim3A_175 : vector<16xi32>, vector<16xi1> -> vector<16xi32>
        %masked_cummax3A_179 = arith.xori %masked_cummax3A_178, %masked_cummax3A_176 : vector<16xi32>
        %sub3A = arith.subi %iota3A, %masked_cummax3A_179 : vector<16xi32>
        %add3A_180 = arith.constant 1 : i32
        %add3A_181 = vector.broadcast %add3A_180 : i32 to vector<16xi32>
        %add3A_182 = arith.addi %sub3A, %add3A_181 : vector<16xi32>
        %convert_element_type3A_183 = arith.sitofp %add3A_182 : vector<16xi32> to vector<16xf32>
        tpu.vector_store_idx %arg11[%get3A_143], %convert_element_type3A_183 masked %or3A {add = true} : memref<10240xf32, #tpu.memory_space<vmem>>[vector<16xi32>], vector<16xf32>, vector<16xi1>
      }
      %scan3A_103 = arith.constant 5 : i32
      %add3A_104 = arith.constant 2 : i32
      %add3A_105 = arith.addi %add3A_65, %add3A_104 : i32
      %lt3A = arith.constant 125 : i32
      %lt3A_106 = arith.cmpi slt, %add3A_105, %lt3A : i32
      %convert_element_type3A_107 = arith.extui %lt3A_106 : i1 to i32
      %cond3A_108 = arith.constant 0 : i32
      %cond3A_109 = arith.cmpi ne, %convert_element_type3A_107, %cond3A_108 : i32
      scf.if %cond3A_109 {
        %add3A_134 = arith.constant 2 : i32
        %add3A_135 = arith.addi %add3A_65, %add3A_134 : i32
        %mul3A_136 = arith.constant 80 : i32
        %mul3A_137 = arith.muli %add3A_135, %mul3A_136 : i32
        %add3A_138 = arith.addi %add3A, %mul3A_137 : i32
        %dma_start3A_139 = arith.constant 0 : i32
        %dma_start3A_140 = tpu.memref_slice %arg2[%add3A_138, %dma_start3A_139] : memref<320000x128xf32, #tpu.memory_space<hbm>> -> memref<80x128xf32, #tpu.memory_space<hbm>>
        %dma_start3A_141 = arith.constant 0 : i32
        %dma_start3A_142 = tpu.memref_slice %arg2[%add3A_138, %dma_start3A_141] : memref<320000x128xf32, #tpu.memory_space<hbm>> -> memref<80x128xf32, #tpu.memory_space<hbm>>
        tpu.enqueue_dma source(%dma_start3A_142 : memref<80x128xf32, #tpu.memory_space<hbm>>) target(%arg7 : memref<80x128xf32, #tpu.memory_space<vmem>>) target_semaphore(%arg13 : memref<!tpu.dma_semaphore, #tpu.memory_space<semaphore_mem>>)
        %dma_start3A_143 = arith.constant 0 : i32
        %dma_start3A_144 = arith.constant 0 : i32
        %dma_start3A_145 = tpu.memref_slice %arg9[%dma_start3A_143, %dma_start3A_144] : memref<1x80xi32, #tpu.memory_space<vmem>> -> memref<1x80xi32, #tpu.memory_space<vmem>>
        %dma_start3A_146 = tpu.memref_squeeze %dma_start3A_145 : memref<1x80xi32, #tpu.memory_space<vmem>> -> memref<80xi32, #tpu.memory_space<vmem>>
        %dma_start3A_147 = tpu.memref_slice %arg3[%add3A_138] : memref<320000xi32, #tpu.memory_space<hbm>> -> memref<80xi32, #tpu.memory_space<hbm>>
        %dma_start3A_148 = arith.constant 0 : i32
        %dma_start3A_149 = tpu.memref_slice %arg9[%dma_start3A_143, %dma_start3A_148] : memref<1x80xi32, #tpu.memory_space<vmem>> -> memref<1x80xi32, #tpu.memory_space<vmem>>
        %dma_start3A_150 = tpu.memref_squeeze %dma_start3A_149 : memref<1x80xi32, #tpu.memory_space<vmem>> -> memref<80xi32, #tpu.memory_space<vmem>>
        %dma_start3A_151 = tpu.memref_slice %arg3[%add3A_138] : memref<320000xi32, #tpu.memory_space<hbm>> -> memref<80xi32, #tpu.memory_space<hbm>>
        tpu.enqueue_dma source(%dma_start3A_151 : memref<80xi32, #tpu.memory_space<hbm>>) target(%dma_start3A_150 : memref<80xi32, #tpu.memory_space<vmem>>) target_semaphore(%arg13 : memref<!tpu.dma_semaphore, #tpu.memory_space<semaphore_mem>>)
      } else {
      }
      %add3A_110 = arith.constant 1 : i32
      %add3A_111 = arith.addi %add3A_65, %add3A_110 : i32
      %mul3A_112 = arith.constant 80 : i32
      %mul3A_113 = arith.muli %add3A_111, %mul3A_112 : i32
      %add3A_114 = arith.addi %add3A, %mul3A_113 : i32
      %dma_wait3A_115 = arith.constant 0 : i32
      %dma_wait3A_116 = tpu.memref_slice %arg2[%add3A_114, %dma_wait3A_115] : memref<320000x128xf32, #tpu.memory_space<hbm>> -> memref<80x128xf32, #tpu.memory_space<hbm>>
      %dma_wait3A_117 = arith.constant 0 : i32
      %dma_wait3A_118 = tpu.memref_slice %arg2[%add3A_114, %dma_wait3A_117] : memref<320000x128xf32, #tpu.memory_space<hbm>> -> memref<80x128xf32, #tpu.memory_space<hbm>>
      tpu.wait_dma2 semaphore(%arg14 : memref<!tpu.dma_semaphore, #tpu.memory_space<semaphore_mem>>) src(%dma_wait3A_118 : memref<80x128xf32, #tpu.memory_space<hbm>>) dst(%arg8 : memref<80x128xf32, #tpu.memory_space<vmem>>)
      %dma_wait3A_119 = arith.constant 0 : i32
      %dma_wait3A_120 = arith.constant 0 : i32
      %dma_wait3A_121 = tpu.memref_slice %arg10[%dma_wait3A_119, %dma_wait3A_120] : memref<1x80xi32, #tpu.memory_space<vmem>> -> memref<1x80xi32, #tpu.memory_space<vmem>>
      %dma_wait3A_122 = tpu.memref_squeeze %dma_wait3A_121 : memref<1x80xi32, #tpu.memory_space<vmem>> -> memref<80xi32, #tpu.memory_space<vmem>>
      %dma_wait3A_123 = tpu.memref_slice %arg3[%add3A_114] : memref<320000xi32, #tpu.memory_space<hbm>> -> memref<80xi32, #tpu.memory_space<hbm>>
      %dma_wait3A_124 = arith.constant 0 : i32
      %dma_wait3A_125 = tpu.memref_slice %arg10[%dma_wait3A_119, %dma_wait3A_124] : memref<1x80xi32, #tpu.memory_space<vmem>> -> memref<1x80xi32, #tpu.memory_space<vmem>>
      %dma_wait3A_126 = tpu.memref_squeeze %dma_wait3A_125 : memref<1x80xi32, #tpu.memory_space<vmem>> -> memref<80xi32, #tpu.memory_space<vmem>>
      %dma_wait3A_127 = tpu.memref_slice %arg3[%add3A_114] : memref<320000xi32, #tpu.memory_space<hbm>> -> memref<80xi32, #tpu.memory_space<hbm>>
      tpu.wait_dma2 semaphore(%arg14 : memref<!tpu.dma_semaphore, #tpu.memory_space<semaphore_mem>>) src(%dma_wait3A_127 : memref<80xi32, #tpu.memory_space<hbm>>) dst(%dma_wait3A_126 : memref<80xi32, #tpu.memory_space<vmem>>)
      %run_scoped3A_128 = arith.constant 0 : i32
      "tpu.region"() ({
        %run_scoped3A_134 = tpu.sem_alloc : memref<!tpu.dma_semaphore, #tpu.memory_space<semaphore_mem>>
        %dma_start3A_135 = arith.constant 0 : i32
        %dma_start3A_136 = tpu.memref_slice %arg10[%run_scoped3A_128, %dma_start3A_135] : memref<1x80xi32, #tpu.memory_space<vmem>> -> memref<1x80xi32, #tpu.memory_space<vmem>>
        %dma_start3A_137 = tpu.memref_squeeze %dma_start3A_136 : memref<1x80xi32, #tpu.memory_space<vmem>> -> memref<80xi32, #tpu.memory_space<vmem>>
        %dma_start3A_138 = arith.constant 0 : i32
        %dma_start3A_139 = arith.constant 0 : i32
        %dma_start3A_140 = tpu.memref_slice %arg12[%dma_start3A_138, %dma_start3A_139] : memref<10240x128xf32, #tpu.memory_space<vmem_shared>> -> memref<10240x128xf32, #tpu.memory_space<vmem_shared>>
        tpu.enqueue_indirect_dma source(%arg8 : memref<80x128xf32, #tpu.memory_space<vmem>>) target(%dma_start3A_140 : memref<10240x128xf32, #tpu.memory_space<vmem_shared>>) offsets(%dma_start3A_137 : memref<80xi32, #tpu.memory_space<vmem>>) semaphore(%run_scoped3A_134 : memref<!tpu.dma_semaphore, #tpu.memory_space<semaphore_mem>>) {add = true}
        %dma_wait3A_141 = arith.constant 0 : i32
        %dma_wait3A_142 = tpu.memref_slice %arg10[%run_scoped3A_128, %dma_wait3A_141] : memref<1x80xi32, #tpu.memory_space<vmem>> -> memref<1x80xi32, #tpu.memory_space<vmem>>
        %dma_wait3A_143 = tpu.memref_squeeze %dma_wait3A_142 : memref<1x80xi32, #tpu.memory_space<vmem>> -> memref<80xi32, #tpu.memory_space<vmem>>
        %dma_wait3A_144 = arith.constant 0 : i32
        %dma_wait3A_145 = arith.constant 0 : i32
        %dma_wait3A_146 = tpu.memref_slice %arg12[%dma_wait3A_144, %dma_wait3A_145] : memref<10240x128xf32, #tpu.memory_space<vmem_shared>> -> memref<10240x128xf32, #tpu.memory_space<vmem_shared>>
        tpu.wait_indirect_dma semaphore(%run_scoped3A_134 : memref<!tpu.dma_semaphore, #tpu.memory_space<semaphore_mem>>) src(%arg8 : memref<80x128xf32, #tpu.memory_space<vmem>>) dst(%dma_wait3A_146 : memref<10240x128xf32, #tpu.memory_space<vmem_shared>>)
        tpu.yield
      }) : () -> ()
      %scan3A_129 = arith.constant 0 : i32
      %scan3A_130 = arith.constant 5 : i32
      %scan3A_131 = arith.addi %scan3A_129, %scan3A_130 : i32
      %scan3A_132 = arith.constant 1 : i32
      scf.for %scan3A_134 = %scan3A_129 to %scan3A_131 step %scan3A_132  : i32 {
        %mul3A_135 = arith.constant 1 : i32
        %mul3A_136 = arith.muli %scan3A_134, %mul3A_135 : i32
        %add3A_137 = arith.constant 0 : i32
        %add3A_138 = arith.addi %add3A_137, %mul3A_136 : i32
        %mul3A_139 = arith.constant 16 : i32
        %mul3A_140 = arith.muli %add3A_138, %mul3A_139 : i32
        %get3A = arith.constant 0 : i32
        %get3A_141 = arith.index_cast %get3A : i32 to index
        %get3A_142 = arith.index_cast %mul3A_140 : i32 to index
        %get3A_143 = tpu.vector_load %arg10[%get3A_141, %get3A_142] {strides = array<i32>} : memref<1x80xi32, #tpu.memory_space<vmem>>, vector<16xi32>,
        %eq3A_144 = arith.constant 0 : i32
        %eq3A_145 = vector.broadcast %eq3A_144 : i32 to vector<16xi32>
        %eq3A_146 = arith.cmpi eq, %iota3A, %eq3A_145 : vector<16xi32>
        %lt3A_147 = arith.constant 0 : i32
        %lt3A_148 = vector.broadcast %lt3A_147 : i32 to vector<16xi32>
        %lt3A_149 = arith.cmpi slt, %and3A_10, %lt3A_148 : vector<16xi32>
        %add3A_150 = arith.constant 16 : i32
        %add3A_151 = vector.broadcast %add3A_150 : i32 to vector<16xi32>
        %add3A_152 = arith.addi %and3A_10, %add3A_151 : vector<16xi32>
        %select_n3A = arith.select %lt3A_149, %add3A_152, %and3A_10 : vector<16xi1>, vector<16xi32>
        %broadcast_in_dim3A_153 = vector.shape_cast %select_n3A : vector<16xi32> to vector<16x1xi32>
        %gather3A = vector.shape_cast %broadcast_in_dim3A_153 : vector<16x1xi32> to vector<16xi32>
        %gather3A_154 = tpu.dynamic_gather %get3A_143[%gather3A] in [0] : vector<16xi32>, vector<16xi32> -> vector<16xi32>
        %jit3A = arith.constant -1 : i32
        %broadcast_in_dim3A_155 = vector.broadcast %jit3A : i32 to vector<16xi32>
        %select_n3A_156 = arith.select %eq3A_146, %broadcast_in_dim3A_155, %gather3A_154 : vector<16xi1>, vector<16xi32>
        %lt3A_157 = arith.constant 0 : i32
        %lt3A_158 = vector.broadcast %lt3A_157 : i32 to vector<16xi32>
        %lt3A_159 = arith.cmpi slt, %and3A_16, %lt3A_158 : vector<16xi32>
        %add3A_160 = arith.constant 16 : i32
        %add3A_161 = vector.broadcast %add3A_160 : i32 to vector<16xi32>
        %add3A_162 = arith.addi %and3A_16, %add3A_161 : vector<16xi32>
        %select_n3A_163 = arith.select %lt3A_159, %add3A_162, %and3A_16 : vector<16xi1>, vector<16xi32>
        %broadcast_in_dim3A_164 = vector.shape_cast %select_n3A_163 : vector<16xi32> to vector<16x1xi32>
        %gather3A_165 = vector.shape_cast %broadcast_in_dim3A_164 : vector<16x1xi32> to vector<16xi32>
        %gather3A_166 = tpu.dynamic_gather %get3A_143[%gather3A_165] in [0] : vector<16xi32>, vector<16xi32> -> vector<16xi32>
        %ne3A = arith.cmpi ne, %select_n3A_156, %get3A_143 : vector<16xi32>
        %eq3A_167 = arith.constant 15 : i32
        %eq3A_168 = vector.broadcast %eq3A_167 : i32 to vector<16xi32>
        %eq3A_169 = arith.cmpi eq, %iota3A, %eq3A_168 : vector<16xi32>
        %ne3A_170 = arith.cmpi ne, %get3A_143, %gather3A_166 : vector<16xi32>
        %or3A = arith.ori %eq3A_169, %ne3A_170 : vector<16xi1>
        %jit3A_171 = arith.constant 0 : i32
        %broadcast_in_dim3A_172 = vector.broadcast %jit3A_171 : i32 to vector<16xi32>
        %select_n3A_173 = arith.select %ne3A, %iota3A, %broadcast_in_dim3A_172 : vector<16xi1>, vector<16xi32>
        %broadcast_in_dim3A_174 = arith.constant true
        %broadcast_in_dim3A_175 = vector.broadcast %broadcast_in_dim3A_174 : i1 to vector<16xi1>
        %masked_cummax3A = arith.constant -2147483648 : i32
        %masked_cummax3A_176 = vector.broadcast %masked_cummax3A : i32 to vector<16xi32>
        %masked_cummax3A_177 = arith.xori %select_n3A_173, %masked_cummax3A_176 : vector<16xi32>
        %masked_cummax3A_178 = tpu.scan <max>, %masked_cummax3A_177 masked %broadcast_in_dim3A_175 : vector<16xi32>, vector<16xi1> -> vector<16xi32>
        %masked_cummax3A_179 = arith.xori %masked_cummax3A_178, %masked_cummax3A_176 : vector<16xi32>
        %sub3A = arith.subi %iota3A, %masked_cummax3A_179 : vector<16xi32>
        %add3A_180 = arith.constant 1 : i32
        %add3A_181 = vector.broadcast %add3A_180 : i32 to vector<16xi32>
        %add3A_182 = arith.addi %sub3A, %add3A_181 : vector<16xi32>
        %convert_element_type3A_183 = arith.sitofp %add3A_182 : vector<16xi32> to vector<16xf32>
        tpu.vector_store_idx %arg11[%get3A_143], %convert_element_type3A_183 masked %or3A {add = true} : memref<10240xf32, #tpu.memory_space<vmem>>[vector<16xi32>], vector<16xf32>, vector<16xi1>
      }
      %scan3A_133 = arith.constant 5 : i32
    }
    %scan3A_49 = arith.constant 63 : i32
    %barrier3A_50 = arith.constant 0 : index
    tpu.barrier barrier_id(%barrier3A_50)
    %eq3A = arith.constant 0 : i32
    %eq3A_51 = arith.cmpi eq, %arg0, %eq3A : i32
    %convert_element_type3A = arith.extui %eq3A_51 : i1 to i32
    %cond3A = arith.constant 0 : i32
    %cond3A_52 = arith.cmpi ne, %convert_element_type3A, %cond3A : i32
    scf.if %cond3A_52 {
      %scan3A_61 = arith.constant 0 : i32
      %scan3A_62 = arith.constant 8 : i32
      %scan3A_63 = arith.addi %scan3A_61, %scan3A_62 : i32
      %scan3A_64 = arith.constant 1 : i32
      scf.for %scan3A_66 = %scan3A_61 to %scan3A_63 step %scan3A_64  : i32 {
        %mul3A_67 = arith.constant 1 : i32
        %mul3A_68 = arith.muli %scan3A_66, %mul3A_67 : i32
        %add3A_69 = arith.constant 0 : i32
        %add3A_70 = arith.addi %add3A_69, %mul3A_68 : i32
        %mul3A_71 = arith.constant 80 : i32
        %mul3A_72 = arith.muli %add3A_70, %mul3A_71 : i32
        %add3A_73 = arith.addi %mul3A_4, %mul3A_72 : i32
        "tpu.region"() ({
          %run_scoped3A = tpu.sem_alloc : memref<!tpu.dma_semaphore, #tpu.memory_space<semaphore_mem>>
          %dma_start3A_77 = arith.constant 0 : i32
          %dma_start3A_78 = tpu.memref_slice %arg12[%add3A_73, %dma_start3A_77] : memref<10240x128xf32, #tpu.memory_space<vmem_shared>> -> memref<80x128xf32, #tpu.memory_space<vmem_shared>>
          %dma_start3A_79 = arith.constant 0 : i32
          %dma_start3A_80 = tpu.memref_slice %arg12[%add3A_73, %dma_start3A_79] : memref<10240x128xf32, #tpu.memory_space<vmem_shared>> -> memref<80x128xf32, #tpu.memory_space<vmem_shared>>
          tpu.enqueue_dma source(%dma_start3A_80 : memref<80x128xf32, #tpu.memory_space<vmem_shared>>) target(%arg7 : memref<80x128xf32, #tpu.memory_space<vmem>>) target_semaphore(%run_scoped3A : memref<!tpu.dma_semaphore, #tpu.memory_space<semaphore_mem>>)
          %dma_wait3A = arith.constant 0 : i32
          %dma_wait3A_81 = tpu.memref_slice %arg12[%add3A_73, %dma_wait3A] : memref<10240x128xf32, #tpu.memory_space<vmem_shared>> -> memref<80x128xf32, #tpu.memory_space<vmem_shared>>
          %dma_wait3A_82 = arith.constant 0 : i32
          %dma_wait3A_83 = tpu.memref_slice %arg12[%add3A_73, %dma_wait3A_82] : memref<10240x128xf32, #tpu.memory_space<vmem_shared>> -> memref<80x128xf32, #tpu.memory_space<vmem_shared>>
          tpu.wait_dma2 semaphore(%run_scoped3A : memref<!tpu.dma_semaphore, #tpu.memory_space<semaphore_mem>>) src(%dma_wait3A_83 : memref<80x128xf32, #tpu.memory_space<vmem_shared>>) dst(%arg7 : memref<80x128xf32, #tpu.memory_space<vmem>>)
          tpu.yield
        }) : () -> ()
        %mul3A_74 = arith.constant 80 : i32
        %mul3A_75 = arith.muli %add3A_70, %mul3A_74 : i32
        %add3A_76 = arith.addi %mul3A_4, %mul3A_75 : i32
        "tpu.region"() ({
          %run_scoped3A = tpu.sem_alloc : memref<!tpu.dma_semaphore, #tpu.memory_space<semaphore_mem>>
          %dma_start3A_77 = arith.constant 0 : i32
          %dma_start3A_78 = tpu.memref_slice %arg4[%add3A_76, %dma_start3A_77] : memref<10240x128xf32, #tpu.memory_space<hbm>> -> memref<80x128xf32, #tpu.memory_space<hbm>>
          %dma_start3A_79 = arith.constant 0 : i32
          %dma_start3A_80 = tpu.memref_slice %arg4[%add3A_76, %dma_start3A_79] : memref<10240x128xf32, #tpu.memory_space<hbm>> -> memref<80x128xf32, #tpu.memory_space<hbm>>
          tpu.enqueue_dma source(%arg7 : memref<80x128xf32, #tpu.memory_space<vmem>>) target(%dma_start3A_80 : memref<80x128xf32, #tpu.memory_space<hbm>>) target_semaphore(%run_scoped3A : memref<!tpu.dma_semaphore, #tpu.memory_space<semaphore_mem>>)
          %dma_wait3A = arith.constant 0 : i32
          %dma_wait3A_81 = tpu.memref_slice %arg4[%add3A_76, %dma_wait3A] : memref<10240x128xf32, #tpu.memory_space<hbm>> -> memref<80x128xf32, #tpu.memory_space<hbm>>
          %dma_wait3A_82 = arith.constant 0 : i32
          %dma_wait3A_83 = tpu.memref_slice %arg4[%add3A_76, %dma_wait3A_82] : memref<10240x128xf32, #tpu.memory_space<hbm>> -> memref<80x128xf32, #tpu.memory_space<hbm>>
          tpu.wait_dma2 semaphore(%run_scoped3A : memref<!tpu.dma_semaphore, #tpu.memory_space<semaphore_mem>>) src(%arg7 : memref<80x128xf32, #tpu.memory_space<vmem>>) dst(%dma_wait3A_83 : memref<80x128xf32, #tpu.memory_space<hbm>>)
          tpu.yield
        }) : () -> ()
      }
      %scan3A_65 = arith.constant 8 : i32
    } else {
    }
    %eq3A_53 = arith.constant 1 : i32
    %eq3A_54 = arith.cmpi eq, %arg0, %eq3A_53 : i32
    %convert_element_type3A_55 = arith.extui %eq3A_54 : i1 to i32
    %cond3A_56 = arith.constant 0 : i32
    %cond3A_57 = arith.cmpi ne, %convert_element_type3A_55, %cond3A_56 : i32
    scf.if %cond3A_57 {
      %scan3A_61 = arith.constant 0 : i32
      %scan3A_62 = arith.constant 8 : i32
      %scan3A_63 = arith.addi %scan3A_61, %scan3A_62 : i32
      %scan3A_64 = arith.constant 1 : i32
      scf.for %scan3A_66 = %scan3A_61 to %scan3A_63 step %scan3A_64  : i32 {
        %mul3A_67 = arith.constant 1 : i32
        %mul3A_68 = arith.muli %scan3A_66, %mul3A_67 : i32
        %add3A_69 = arith.constant 0 : i32
        %add3A_70 = arith.addi %add3A_69, %mul3A_68 : i32
        %mul3A_71 = arith.constant 80 : i32
        %mul3A_72 = arith.muli %add3A_70, %mul3A_71 : i32
        %add3A_73 = arith.addi %mul3A_4, %mul3A_72 : i32
        "tpu.region"() ({
          %run_scoped3A = tpu.sem_alloc : memref<!tpu.dma_semaphore, #tpu.memory_space<semaphore_mem>>
          %dma_start3A_77 = arith.constant 0 : i32
          %dma_start3A_78 = tpu.memref_slice %arg12[%add3A_73, %dma_start3A_77] : memref<10240x128xf32, #tpu.memory_space<vmem_shared>> -> memref<80x128xf32, #tpu.memory_space<vmem_shared>>
          %dma_start3A_79 = arith.constant 0 : i32
          %dma_start3A_80 = tpu.memref_slice %arg12[%add3A_73, %dma_start3A_79] : memref<10240x128xf32, #tpu.memory_space<vmem_shared>> -> memref<80x128xf32, #tpu.memory_space<vmem_shared>>
          tpu.enqueue_dma source(%dma_start3A_80 : memref<80x128xf32, #tpu.memory_space<vmem_shared>>) target(%arg7 : memref<80x128xf32, #tpu.memory_space<vmem>>) target_semaphore(%run_scoped3A : memref<!tpu.dma_semaphore, #tpu.memory_space<semaphore_mem>>)
          %dma_wait3A = arith.constant 0 : i32
          %dma_wait3A_81 = tpu.memref_slice %arg12[%add3A_73, %dma_wait3A] : memref<10240x128xf32, #tpu.memory_space<vmem_shared>> -> memref<80x128xf32, #tpu.memory_space<vmem_shared>>
          %dma_wait3A_82 = arith.constant 0 : i32
          %dma_wait3A_83 = tpu.memref_slice %arg12[%add3A_73, %dma_wait3A_82] : memref<10240x128xf32, #tpu.memory_space<vmem_shared>> -> memref<80x128xf32, #tpu.memory_space<vmem_shared>>
          tpu.wait_dma2 semaphore(%run_scoped3A : memref<!tpu.dma_semaphore, #tpu.memory_space<semaphore_mem>>) src(%dma_wait3A_83 : memref<80x128xf32, #tpu.memory_space<vmem_shared>>) dst(%arg7 : memref<80x128xf32, #tpu.memory_space<vmem>>)
          tpu.yield
        }) : () -> ()
        %mul3A_74 = arith.constant 80 : i32
        %mul3A_75 = arith.muli %add3A_70, %mul3A_74 : i32
        %add3A_76 = arith.addi %mul3A_4, %mul3A_75 : i32
        "tpu.region"() ({
          %run_scoped3A = tpu.sem_alloc : memref<!tpu.dma_semaphore, #tpu.memory_space<semaphore_mem>>
          %dma_start3A_77 = arith.constant 0 : i32
          %dma_start3A_78 = tpu.memref_slice %arg5[%add3A_76, %dma_start3A_77] : memref<10240x128xf32, #tpu.memory_space<hbm>> -> memref<80x128xf32, #tpu.memory_space<hbm>>
          %dma_start3A_79 = arith.constant 0 : i32
          %dma_start3A_80 = tpu.memref_slice %arg5[%add3A_76, %dma_start3A_79] : memref<10240x128xf32, #tpu.memory_space<hbm>> -> memref<80x128xf32, #tpu.memory_space<hbm>>
          tpu.enqueue_dma source(%arg7 : memref<80x128xf32, #tpu.memory_space<vmem>>) target(%dma_start3A_80 : memref<80x128xf32, #tpu.memory_space<hbm>>) target_semaphore(%run_scoped3A : memref<!tpu.dma_semaphore, #tpu.memory_space<semaphore_mem>>)
          %dma_wait3A = arith.constant 0 : i32
          %dma_wait3A_81 = tpu.memref_slice %arg5[%add3A_76, %dma_wait3A] : memref<10240x128xf32, #tpu.memory_space<hbm>> -> memref<80x128xf32, #tpu.memory_space<hbm>>
          %dma_wait3A_82 = arith.constant 0 : i32
          %dma_wait3A_83 = tpu.memref_slice %arg5[%add3A_76, %dma_wait3A_82] : memref<10240x128xf32, #tpu.memory_space<hbm>> -> memref<80x128xf32, #tpu.memory_space<hbm>>
          tpu.wait_dma2 semaphore(%run_scoped3A : memref<!tpu.dma_semaphore, #tpu.memory_space<semaphore_mem>>) src(%arg7 : memref<80x128xf32, #tpu.memory_space<vmem>>) dst(%dma_wait3A_83 : memref<80x128xf32, #tpu.memory_space<hbm>>)
          tpu.yield
        }) : () -> ()
      }
      %scan3A_65 = arith.constant 8 : i32
    } else {
    }
    %mul3A_58 = arith.constant 16 : i32
    %mul3A_59 = arith.muli %arg0, %mul3A_58 : i32
    %add3A_60 = arith.addi %mul3A_59, %arg1 : i32
    "tpu.region"() ({
      %run_scoped3A = tpu.sem_alloc : memref<!tpu.dma_semaphore, #tpu.memory_space<semaphore_mem>>
      %dma_start3A_61 = arith.constant 0 : i32
      %dma_start3A_62 = tpu.memref_slice %arg6[%add3A_60, %dma_start3A_61] : memref<32x10240xf32, #tpu.memory_space<hbm>> -> memref<1x10240xf32, #tpu.memory_space<hbm>>
      %dma_start3A_63 = tpu.memref_squeeze %dma_start3A_62 : memref<1x10240xf32, #tpu.memory_space<hbm>> -> memref<10240xf32, #tpu.memory_space<hbm>>
      %dma_start3A_64 = arith.constant 0 : i32
      %dma_start3A_65 = tpu.memref_slice %arg6[%add3A_60, %dma_start3A_64] : memref<32x10240xf32, #tpu.memory_space<hbm>> -> memref<1x10240xf32, #tpu.memory_space<hbm>>
      %dma_start3A_66 = tpu.memref_squeeze %dma_start3A_65 : memref<1x10240xf32, #tpu.memory_space<hbm>> -> memref<10240xf32, #tpu.memory_space<hbm>>
      tpu.enqueue_dma source(%arg11 : memref<10240xf32, #tpu.memory_space<vmem>>) target(%dma_start3A_66 : memref<10240xf32, #tpu.memory_space<hbm>>) target_semaphore(%run_scoped3A : memref<!tpu.dma_semaphore, #tpu.memory_space<semaphore_mem>>)
      %dma_wait3A = arith.constant 0 : i32
      %dma_wait3A_67 = tpu.memref_slice %arg6[%add3A_60, %dma_wait3A] : memref<32x10240xf32, #tpu.memory_space<hbm>> -> memref<1x10240xf32, #tpu.memory_space<hbm>>
      %dma_wait3A_68 = tpu.memref_squeeze %dma_wait3A_67 : memref<1x10240xf32, #tpu.memory_space<hbm>> -> memref<10240xf32, #tpu.memory_space<hbm>>
      %dma_wait3A_69 = arith.constant 0 : i32
      %dma_wait3A_70 = tpu.memref_slice %arg6[%add3A_60, %dma_wait3A_69] : memref<32x10240xf32, #tpu.memory_space<hbm>> -> memref<1x10240xf32, #tpu.memory_space<hbm>>
      %dma_wait3A_71 = tpu.memref_squeeze %dma_wait3A_70 : memref<1x10240xf32, #tpu.memory_space<hbm>> -> memref<10240xf32, #tpu.memory_space<hbm>>
      tpu.wait_dma2 semaphore(%run_scoped3A : memref<!tpu.dma_semaphore, #tpu.memory_space<semaphore_mem>>) src(%arg11 : memref<10240xf32, #tpu.memory_space<vmem>>) dst(%dma_wait3A_71 : memref<10240xf32, #tpu.memory_space<hbm>>)
      tpu.yield
    }) : () -> ()
    return
  }
}

module attributes {stable_mosaic.version = 14 : i64} {
  func.func @_finalize_body(%arg0: i32, %arg1: memref<1280x128xf32, #tpu.memory_space<vmem>>, %arg2: memref<1280x128xf32, #tpu.memory_space<vmem>>, %arg3: memref<1280x128xf32, #tpu.memory_space<vmem>>, %arg4: memref<1280x128xf32, #tpu.memory_space<vmem>>, %arg5: memref<32x1280xf32, #tpu.memory_space<vmem>>, %arg6: memref<1280x256xf32, #tpu.memory_space<vmem>>) attributes {dimension_semantics = [#tpu.dimension_semantics<arbitrary>], iteration_bounds = array<i64: 8>, scalar_prefetch = 0 : i64, scratch_operands = 0 : i64, tpu.core_type = #tpu.core_type<tc>, window_params = [{transform_indices = @transform_0, window_bounds = array<i64: 1280, 128>}, {transform_indices = @transform_1, window_bounds = array<i64: 1280, 128>}, {transform_indices = @transform_2, window_bounds = array<i64: 1280, 128>}, {transform_indices = @transform_3, window_bounds = array<i64: 1280, 128>}, {transform_indices = @transform_4, window_bounds = array<i64: 32, 1280>}, {transform_indices = @transform_5, window_bounds = array<i64: 1280, 256>}]} {
    %get3A = arith.constant 0 : index
    %get3A_0 = arith.constant 0 : index
    %get3A_1 = vector.load %arg5[%get3A, %get3A_0] : memref<32x1280xf32, #tpu.memory_space<vmem>>, vector<32x1280xf32>
    %reduce_sum3A = arith.constant dense<0.000000e+00> : vector<1280xf32>
    %reduce_sum3A_2 = vector.multi_reduction <add>, %get3A_1, %reduce_sum3A [0] : vector<32x1280xf32> to vector<1280xf32>
    %broadcast_in_dim3A = vector.shape_cast %reduce_sum3A_2 : vector<1280xf32> to vector<1280x1xf32>
    %max3A = arith.constant 1.000000e+00 : f32
    %max3A_3 = vector.broadcast %max3A : f32 to vector<1280x1xf32>
    %max3A_4 = arith.maximumf %broadcast_in_dim3A, %max3A_3 : vector<1280x1xf32>
    %get3A_5 = arith.constant 0 : index
    %get3A_6 = arith.constant 0 : index
    %get3A_7 = vector.load %arg1[%get3A_5, %get3A_6] : memref<1280x128xf32, #tpu.memory_space<vmem>>, vector<1280x128xf32>
    %get3A_8 = arith.constant 0 : index
    %get3A_9 = arith.constant 0 : index
    %get3A_10 = vector.load %arg2[%get3A_8, %get3A_9] : memref<1280x128xf32, #tpu.memory_space<vmem>>, vector<1280x128xf32>
    %add3A = arith.addf %get3A_7, %get3A_10 : vector<1280x128xf32>
    %div3A = vector.broadcast %max3A_4 : vector<1280x1xf32> to vector<1280x128xf32>
    %div3A_11 = arith.divf %add3A, %div3A : vector<1280x128xf32>
    %get3A_12 = arith.constant 0 : index
    %get3A_13 = arith.constant 0 : index
    %get3A_14 = vector.load %arg3[%get3A_12, %get3A_13] : memref<1280x128xf32, #tpu.memory_space<vmem>>, vector<1280x128xf32>
    %get3A_15 = arith.constant 0 : index
    %get3A_16 = arith.constant 0 : index
    %get3A_17 = vector.load %arg4[%get3A_15, %get3A_16] : memref<1280x128xf32, #tpu.memory_space<vmem>>, vector<1280x128xf32>
    %add3A_18 = arith.addf %get3A_14, %get3A_17 : vector<1280x128xf32>
    %div3A_19 = vector.broadcast %max3A_4 : vector<1280x1xf32> to vector<1280x128xf32>
    %div3A_20 = arith.divf %add3A_18, %div3A_19 : vector<1280x128xf32>
    %mul3A = arith.mulf %div3A_11, %div3A_11 : vector<1280x128xf32>
    %sub3A = arith.subf %div3A_20, %mul3A : vector<1280x128xf32>
    %sub3A_21 = arith.constant 1.000000e+00 : f32
    %sub3A_22 = vector.broadcast %sub3A_21 : f32 to vector<1280x1xf32>
    %sub3A_23 = arith.subf %broadcast_in_dim3A, %sub3A_22 : vector<1280x1xf32>
    %max3A_24 = arith.constant 1.000000e+00 : f32
    %max3A_25 = vector.broadcast %max3A_24 : f32 to vector<1280x1xf32>
    %max3A_26 = arith.maximumf %sub3A_23, %max3A_25 : vector<1280x1xf32>
    %div3A_27 = arith.divf %broadcast_in_dim3A, %max3A_26 : vector<1280x1xf32>
    %mul3A_28 = vector.broadcast %div3A_27 : vector<1280x1xf32> to vector<1280x128xf32>
    %mul3A_29 = arith.mulf %sub3A, %mul3A_28 : vector<1280x128xf32>
    %max3A_30 = arith.constant 9.99999996E-13 : f32
    %max3A_31 = vector.broadcast %max3A_30 : f32 to vector<1280x128xf32>
    %max3A_32 = arith.maximumf %mul3A_29, %max3A_31 : vector<1280x128xf32>
    %div3A_33 = vector.broadcast %max3A_4 : vector<1280x1xf32> to vector<1280x128xf32>
    %div3A_34 = arith.divf %max3A_32, %div3A_33 : vector<1280x128xf32>
    %sqrt3A = math.sqrt %div3A_34 : vector<1280x128xf32>
    %swap3A = arith.constant 0 : index
    %swap3A_35 = arith.constant 0 : index
    %swap3A_36 = vector.load %arg6[%swap3A, %swap3A_35] : memref<1280x256xf32, #tpu.memory_space<vmem>>, vector<1280x128xf32>
    tpu.vector_store %arg6[%swap3A, %swap3A_35], %div3A_11 {strides = array<i32>} : memref<1280x256xf32, #tpu.memory_space<vmem>>, vector<1280x128xf32>,
    %swap3A_37 = arith.constant 0 : index
    %swap3A_38 = arith.constant 128 : index
    %swap3A_39 = vector.load %arg6[%swap3A_37, %swap3A_38] : memref<1280x256xf32, #tpu.memory_space<vmem>>, vector<1280x128xf32>
    tpu.vector_store %arg6[%swap3A_37, %swap3A_38], %sqrt3A {strides = array<i32>} : memref<1280x256xf32, #tpu.memory_space<vmem>>, vector<1280x128xf32>,
    return
  }
  func.func @transform_0(%arg0: i32) -> (i32, i32) {
    %c0_i32 = arith.constant 0 : i32
    %c0_i32_0 = arith.constant 0 : i32
    return %arg0, %c0_i32 : i32, i32
  }
  func.func @transform_1(%arg0: i32) -> (i32, i32) {
    %c0_i32 = arith.constant 0 : i32
    %c0_i32_0 = arith.constant 0 : i32
    return %arg0, %c0_i32 : i32, i32
  }
  func.func @transform_2(%arg0: i32) -> (i32, i32) {
    %c0_i32 = arith.constant 0 : i32
    %c0_i32_0 = arith.constant 0 : i32
    return %arg0, %c0_i32 : i32, i32
  }
  func.func @transform_3(%arg0: i32) -> (i32, i32) {
    %c0_i32 = arith.constant 0 : i32
    %c0_i32_0 = arith.constant 0 : i32
    return %arg0, %c0_i32 : i32, i32
  }
  func.func @transform_4(%arg0: i32) -> (i32, i32) {
    %c0_i32 = arith.constant 0 : i32
    %c0_i32_0 = arith.constant 0 : i32
    return %c0_i32, %arg0 : i32, i32
  }
  func.func @transform_5(%arg0: i32) -> (i32, i32) {
    %c0_i32 = arith.constant 0 : i32
    %c0_i32_0 = arith.constant 0 : i32
    return %arg0, %c0_i32 : i32, i32
  }
}

module attributes {stable_mosaic.version = 14 : i64} {
  func.func @_square_body(%arg0: i32, %arg1: memref<2560x128xf32, #tpu.memory_space<vmem>>, %arg2: memref<2560x128xf32, #tpu.memory_space<vmem>>) attributes {dimension_semantics = [#tpu.dimension_semantics<arbitrary>], iteration_bounds = array<i64: 125>, scalar_prefetch = 0 : i64, scratch_operands = 0 : i64, tpu.core_type = #tpu.core_type<tc>, window_params = [{transform_indices = @transform_0, window_bounds = array<i64: 2560, 128>}, {transform_indices = @transform_1, window_bounds = array<i64: 2560, 128>}]} {
    %get3A = arith.constant 0 : index
    %get3A_0 = arith.constant 0 : index
    %get3A_1 = vector.load %arg1[%get3A, %get3A_0] : memref<2560x128xf32, #tpu.memory_space<vmem>>, vector<2560x128xf32>
    %mul3A = arith.mulf %get3A_1, %get3A_1 : vector<2560x128xf32>
    %swap3A = arith.constant 0 : index
    %swap3A_2 = arith.constant 0 : index
    %swap3A_3 = vector.load %arg2[%swap3A, %swap3A_2] : memref<2560x128xf32, #tpu.memory_space<vmem>>, vector<2560x128xf32>
    tpu.vector_store %arg2[%swap3A, %swap3A_2], %mul3A {strides = array<i32>} : memref<2560x128xf32, #tpu.memory_space<vmem>>, vector<2560x128xf32>,
    return
  }
  func.func @transform_0(%arg0: i32) -> (i32, i32) {
    %c0_i32 = arith.constant 0 : i32
    %c0_i32_0 = arith.constant 0 : i32
    return %arg0, %c0_i32 : i32, i32
  }
  func.func @transform_1(%arg0: i32) -> (i32, i32) {
    %c0_i32 = arith.constant 0 : i32
    %c0_i32_0 = arith.constant 0 : i32
    return %arg0, %c0_i32 : i32, i32
  }
}

</mosaic_0001>

<sc_bundles>
// kernel: _impl.6.cloned.1.call-start
scs
__scs_entry_jumppad:
0x0: {  	(pc) =	sbr.rel $0x88, $3  }
0x1: {  	(tag) =	ssettag $0x0;
	lr =	simm.s32 $0x1  }
0x2: {  	[smem:$0x3F9F] =	sst lr;
	_ =	strace $0xD0000000  }
0x3: {  	_ = 	snop  }
0x4: {  	_ = 	snop  }
0x5: {  	_ = 	snop  }
0x6: {  	_ = 	snop  }
0x7: {  	_ = 	snop  }
__scs_overlays_trampoline_lowered:
0x8: {  	[smem:$0x3FAE] =	sst s0  }
0x9: {  	[smem:$0x3FAF] =	sst s1  }
0xa: {  	[smem:$0x3FB0] =	sst s2  }
0xb: {  	[smem:$0x3FB1] =	sst s3  }
0xc: {  	[smem:$0x3FB2] =	sst s4  }
0xd: {  	[smem:$0x3FB3] =	sst s5  }
0xe: {  	[smem:$0x3FB4] =	sst s6  }
0xf: {  	[smem:$0x3FB5] =	sst s7  }
0x10: {  	[smem:$0x3FB6] =	sst s8  }
0x11: {  	[smem:$0x3FB7] =	sst s9;
	s0 =	simm.s32 @!p0 $0x0  }
0x12: {  	s1 =	sld [smem:$0x3F9D];
	s0 =	simm.s32 @p0 $0x1  }
0x13: {  	[smem:$0x3FB8] =	sst s0;
	s0 =	simm.s32 @!p1 $0x0  }
0x14: {  	s2 =	sld [smem:$0x3F9C];
	s0 =	simm.s32 @p1 $0x1  }
0x15: {  	[smem:$0x3FB9] =	sst s0;
	s0 =	simm.s32 @!p2 $0x0  }
0x16: {  	s3 =	sld [smem:$0x3FDB];
	s0 =	simm.s32 @p2 $0x1  }
0x17: {  	s4 =	simm.s32 $0x1BF5;
	[smem:$0x3FBB] =	sst s0  }
0x18: {  	s0 =	sld [smem:$0x3F9E];
	_ =	swait.ge [sflag:s4], $0x0  }
0x19: {  	s7 =	sld [smem:$0x3F9F]  }
0x1a: {  	s8 =	sadd.s32 $0xFFFFE003, lr  }
0x1b: {  	s9 =	sadd.s32 $0xFFFFFEF7, lr;
	s5 =	simm.s32 $0xFFFFFFFF;
	p2 =	slt.u32 s8, $0xFFFFF086  }
0x1c: {  	p1 =	slt.u32 s9, $0xF7A;
	s5 =	simm.s32 @!p2 $0x0  }
0x1d: {  	s5 =	simm.s32 @p1 $0x1;
	p0 =	seq.s32 s7, s2  }
0x1e: {  	s7 =	smul.u32 @!p0 $0xF7A, s2;
	p2 =	seq.s32 @!p0 s5, $0x0  }
0x1f: {  	s9 =	smul.u32 $0xF7A, s1;
	s8 =	simm.s32 @!p0 $0x1BF5;
	p2 =	por !p2, p0  }
0x20: {  	[sflag:s8] =	ssyncset.s32 @!p0 $0xFFFFF086;
	s6 =	sadd.s32 @!p0 s3, s7;
	s7 =	simm.s32 @!p0 $0x108  }
0x21: {  	s3 =	sadd.s32 s3, s9;
	s6 =	sadd.s32 @!p0 $0x88, s6;
	s7 =	simm.s32 @p2 $0x1082  }
0x22: {  	[simem:s7], [sflag:s8] =	dma.local @!p0 [hbm:s6], $0xF7A  }
0x23: {  	s9 =	sor.u32 $0xD0000000, s2;
	s6 =	simm.s32 $0x108;
	_ =	swait.ge @!p0 [sflag:s8], $0x0  }
0x24: {  	s3 =	sadd.s32 $0x88, s3;
	s6 =	simm.s32 @!p1 $0x1082;
	[sflag:s4] =	ssyncset.s32 $0xFFFFF086  }
0x25: {  	[simem:s6], [sflag:s4] =	dma.local [hbm:s3], $0xF7A  }
0x26: {  	[smem:$0x3F9F] =	sst s1;
	(tag) =	ssettag s2;
	_ =	strace s9  }
0x27: {  	s1 =	sld [smem:$0x3FAF]  }
0x28: {  	s2 =	sld [smem:$0x3FB0]  }
0x29: {  	s4 =	sld [smem:$0x3FB2]  }
0x2a: {  	p0 =	seq.s32 s5, $0x0;
	s5 =	sld [smem:$0x3FB3]  }
0x2b: {  	s6 =	sld [smem:$0x3FB4]  }
0x2c: {  	s7 =	sld [smem:$0x3FB5]  }
0x2d: {  	s3 =	simm.s32 $0x108;
	s8 =	sld [smem:$0x3FB6]  }
0x2e: {  	s3 =	simm.s32 @!p0 $0x1082;
	s9 =	sld [smem:$0x3FB7]  }
0x2f: {  	lr =	sadd.s32 s0, s3;
	s0 =	sld [smem:$0x3FAE]  }
0x30: {  	s3 =	sld [smem:$0x3FB1]  }
0x31: {  	[smem:$0x3FBA] =	sst s10  }
0x32: {  	s10 =	sld [smem:$0x3FB8];
	_ =	sdelay $0x3  }
0x33: {  	p0 =	seq.s32 s10, $0x1;
	s10 =	sld [smem:$0x3FBA];
	_ =	sdelay $0x3  }
0x34: {  	[smem:$0x3FBA] =	sst s10  }
0x35: {  	s10 =	sld [smem:$0x3FB9];
	_ =	sdelay $0x3  }
0x36: {  	p1 =	seq.s32 s10, $0x1;
	s10 =	sld [smem:$0x3FBA];
	_ =	sdelay $0x3  }
0x37: {  	[smem:$0x3FBA] =	sst s10  }
0x38: {  	s10 =	sld [smem:$0x3FBB]  }
0x39: {  	_ = 	snop;
	(pc) =	sbr.ind lr, $3  }
0x3a: {  	_ = 	snop  }
0x3b: {  	_ = 	snop  }
0x3c: {  	p2 =	seq.s32 s10, $0x1;
	s10 =	sld [smem:$0x3FBA]  }
0x3d: {  	_ =	shalt  }
0x3e: {  	_ =	shalt  }
0x3f: {  	_ =	shalt  }
0x40: {  	_ =	shalt  }
0x41: {  	_ =	shalt  }
0x42: {  	_ =	shalt  }
0x43: {  	_ =	shalt  }
0x44: {  	_ =	shalt  }
0x45: {  	_ =	shalt  }
0x46: {  	_ =	shalt  }
0x47: {  	_ =	shalt  }
0x48: {  	_ =	shalt  }
0x49: {  	_ =	shalt  }
0x4a: {  	_ =	shalt  }
0x4b: {  	_ =	shalt  }
0x4c: {  	_ =	shalt  }
0x4d: {  	_ =	shalt  }
0x4e: {  	_ =	shalt  }
0x4f: {  	_ =	shalt  }
0x50: {  	_ =	shalt  }
0x51: {  	_ =	shalt  }
0x52: {  	_ =	shalt  }
0x53: {  	_ =	shalt  }
0x54: {  	_ =	shalt  }
0x55: {  	_ =	shalt  }
0x56: {  	_ =	shalt  }
0x57: {  	_ =	shalt  }
0x58: {  	_ =	shalt  }
0x59: {  	_ =	shalt  }
0x5a: {  	_ =	shalt  }
0x5b: {  	_ =	shalt  }
0x5c: {  	_ =	shalt  }
0x5d: {  	_ =	shalt  }
0x5e: {  	_ =	shalt  }
0x5f: {  	_ =	shalt  }
0x60: {  	_ =	shalt  }
0x61: {  	_ =	shalt  }
0x62: {  	_ =	shalt  }
0x63: {  	_ =	shalt  }
0x64: {  	_ =	shalt  }
0x65: {  	_ =	shalt  }
0x66: {  	_ =	shalt  }
0x67: {  	_ =	shalt  }
0x68: {  	_ =	shalt  }
0x69: {  	_ =	shalt  }
0x6a: {  	_ =	shalt  }
0x6b: {  	_ =	shalt  }
0x6c: {  	_ =	shalt  }
0x6d: {  	_ =	shalt  }
0x6e: {  	_ =	shalt  }
0x6f: {  	_ =	shalt  }
0x70: {  	_ =	shalt  }
0x71: {  	_ =	shalt  }
0x72: {  	_ =	shalt  }
0x73: {  	_ =	shalt  }
0x74: {  	_ =	shalt  }
0x75: {  	_ =	shalt  }
0x76: {  	_ =	shalt  }
0x77: {  	_ =	shalt  }
0x78: {  	_ =	shalt  }
0x79: {  	_ =	shalt  }
0x7a: {  	_ =	shalt  }
0x7b: {  	_ =	shalt  }
0x7c: {  	_ =	shalt  }
0x7d: {  	_ =	shalt  }
0x7e: {  	_ =	shalt  }
0x7f: {  	_ =	shalt  }
0x80: {  	_ =	shalt  }
0x81: {  	_ =	shalt  }
0x82: {  	_ =	shalt  }
0x83: {  	_ =	shalt  }
0x84: {  	_ =	shalt  }
0x85: {  	_ =	shalt  }
0x86: {  	_ =	shalt  }
0x87: {  	_ =	shalt  }
.Lfunc_end0:
.L_simem_size_0:
called_computation_lowered:
.L_overlay_start_0:
0x88: {  	s2 =	sld [smem:$0x3FD9]  }
0x89: {  	s3 =	sld [smem:$0x3FFE];
	_ =	sdelay $0x1  }
0x8a: {  	s1 =	srdreg.scid  }
0x8b: {  	s0 =	sand.u32 $0x1, s1  }
0x8c: {  	s17 =	sshll.u32 s0, $0xA;
	s2 =	sadd.s32 s3, s2  }
0x8d: {  	s2 =	sadd.s32 s2, s17  }
0x8e: {  	[smem:$0x3FC6] =	sst s2  }
0x8f: {  	_ = 	snop  }
0x90: {  	s2 =	sld [smem:$0x3FC9]  }
0x91: {  	s18 =	sld [smem:$0x3FC8];
	(tm) =	ssettm $0x1  }
0x92: {  	s4 =	sld [smem:$0x3FFB];
	_ =	sdelay $0x3  }
0x93: {  	_ =	strace s4  }
0x94: {  	s4 =	sld [smem:$0x3FFC];
	_ =	sdelay $0x3  }
0x95: {  	_ =	strace s4  }
0x96: {  	s4 =	sld [smem:$0x3FFD];
	_ =	sdelay $0x3  }
0x97: {  	_ =	strace s4  }
0x98: {  	_ =	strace $0x8FFFFFFF  }
0x99: {  	s19 =	sld [smem:$0x3FDB];
	_ =	sdelay $0x1  }
0x9a: {  	s5 =	simm.s32 $_scs_section_size  }
0x9b: {  	s6 =	simm.s32 $_size__tile_overlayer_lowered;
	s7 =	simm.s32 $_tile_overlayer_lowered  }
0x9c: {  	s22 =	simm.s32 $0x1BFF;
	s21 =	sshll.u32 s7, $0x1;
	s4 =	sadd.s32 s5, s19  }
0x9d: {  	s8 =	simm.s32 $0x0;
	s20 =	sshll.u32 s6, $0x1;
	s6 =	sadd.s32 s21, s4  }
0x9e: {  	[timem:s8], [sflag:s22] =	dma.local [hbm:s6], s20  }
0x9f: {  	_ =	swait.ge [sflag:s22], s20  }
0xa0: {  	s5 =	ssub.s32 $0x0, s20;
	[sflag:s22] =	ssyncset.done $0x0  }
0xa1: {  	[sflag:s22] =	ssyncadd.s32 s5;
	_ =	sdelay $0x1  }
0xa2: {  	s23 =	simm.s32 $0x1B8B  }
0xa3: {  	_ =	swait.ge [sflag:s23], $0x1  }
0xa4: {  	[sflag:s23] =	ssyncset.done $0x0  }
0xa5: {  	s25 =	simm.s32 $0x1B8E;
	s24 =	sld [smem:$0x3FFE];
	[sflag:s23] =	ssyncadd.s32 $0xFFFFFFFF  }
0xa6: {  	s26 =	simm.s32 $execute0_lowered;
	[smem:$0x3FD2] =	sst s25  }
0xa7: {  	s6 =	sshll.u32 s26, $0x1;
	_ =	strace $0x80000046;
	[dreg:$0x1] =	wrdreg $0xFFFFFFFF  }
0xa8: {  	s28 =	simm.s32 $_size_execute0_lowered;
	s4 =	sadd.s32 s4, s6;
	[dreg:$0x0] =	wrdreg $0x0  }
0xa9: {  	s6 =	sshll.u32 s28, $0x1;
	[dreg:$0x2] =	wrdreg s4  }
0xaa: {  	[dreg:$0x3] =	wrdreg s6  }
0xab: {  	[dreg:$0x4] =	wrdreg $0xC0  }
0xac: {  	_ =	task [dreg:s8], $0x5FFFF  }
0xad: {  	[dreg:$0x1] =	wrdreg $0xFFFFFFFF  }
0xae: {  	[dreg:$0x0] =	wrdreg $0x60  }
0xaf: {  	[dreg:$0x2] =	wrdreg s2  }
0xb0: {  	[dreg:$0x3] =	wrdreg s18  }
0xb1: {  	[dreg:$0x4] =	wrdreg s24  }
0xb2: {  	[dreg:$0x5] =	wrdreg $0x79000  }
0xb3: {  	[dreg:$0x6] =	wrdreg $0x9  }
0xb4: {  	_ =	task.clear_ibuf [dreg:s8], $0x7FFFF;
	_ =	strace $0x90000046  }
0xb5: {  	s29 =	simm.s32 $0x9;
	_ =	strace $0x80000048  }
0xb6: {  	_ =	swait.ge [sflag:s29], $0x1  }
0xb7: {  	[sflag:s29] =	ssyncadd.s32 $0xFFFFFFFF  }
0xb8: {  	_ =	strace $0x90000048  }
0xb9: {  	_ =	sfence  }
0xba: {  	s30 =	sld [smem:$0x0];
	_ =	sdelay $0x2  }
0xbb: {  	s31 =	sshll.u32 s1, $0xD;
	s1 =	sshrl.u32 s1, $0x2  }
0xbc: {  	s3 =	sand.u32 $0x4000, s31;
	s1 =	sadd.s32 s1, s30  }
0xbd: {  	s0 =	sor.u32 s3, s0;
	s1 =	sshll.u32 s1, $0x11  }
0xbe: {  	s0 =	sor.u32 s1, s0  }
0xbf: {  	s0 =	sadd.s32 $0x8F2B, s0  }
0xc0: {  	[sflag:s0] =	ssyncadd.remote.s32 $0x1  }
0xc1: {  	_ =	sfence.sel $0xFFFF  }
0xc2: {  	[dreg:$0x0] =	wrdreg $0xFFFFFFFF;
	(pc) =	sbr.abs _section_cstart, $3  }
0xc3: {  	[dreg:$0x1] =	wrdreg $0xFFFFFFFF  }
0xc4: {  	_ =	task.clear_ibuf [dreg:s8], $0x2FFFF;
	_ =	strace $0x9FFFFFFF  }
0xc5: {  	(tm) =	ssettm $0x7FFFFFFF  }
tec
execute0_lowered:
.L_overlay_start_1:
0x0: {  	(tag) =	ssettag $0x1  }
0x1: {  	s5 =	rddreg [dreg:$0x0]  }
0x2: {  	s0 =	srdreg.scid;
	s1 =	rddreg [dreg:$0x1]  }
0x3: {  	s23 =	stileid.u32;
	s6 =	rddreg [dreg:$0x2]  }
0x4: {  	s3 =	rddreg [dreg:$0x3];
	s16 =	simm.s32 $0x29A00;
	s29 =	simm.s32 $0x3  }
0x5: {  	s30 =	simm.s32 $0x5000;
	s31 =	simm.s32 $0x2800;
	s9 =	smul.u32 $0x2710, s23  }
0x6: {  	s2 =	sand.u32 $0x1, s0;
	s4 =	sshll.u32 s23, $0x7;
	s11 =	smul.u32 $0x280, s23  }
0x7: {  	s14 =	smul.u32 $0x2800, s23;
	s0 =	sshll.u32 s2, $0x4;
	s4 =	sand.u32 $0x380, s4  }
0x8: {  	s7 =	smul.u32 $0x27100, s2;
	s8 =	ssub.s32 $0x2, s2;
	p0 =	seq.s32 s2, $0x1  }
0x9: {  	s2 =	smul.u32 $0x271000, s2;
	s0 =	sor.u32 s23, s0;
	s10 =	sshrl.u32 s8, $0x1  }
0xa: {  	s13 =	sadd.s32 $0x140, s11;
	s22 =	sadd.s32 $0x190, s11;
	s0 =	sshrl.u32 s0, $0x3  }
0xb: {  	s24 =	sadd.s32 $0x1E0, s11;
	s16 =	simm.s32 @!p0 $0x1A00;
	s0 =	smul.u32 $0x14000, s0  }
0xc: {  	s8 =	ssub.s32 s8, s10;
	s10 =	sadd.s32 $0xF0, s11;
	s19 =	sshll.u32 s13, $0x4  }
0xd: {  	s20 =	sshll.u32 s22, $0x4;
	s2 =	sadd.s32 s2, s5;
	s0 =	sor.u32 s4, s0  }
0xe: {  	s18 =	sshll.u32 s10, $0x4;
	s4 =	simm.s32 $0x0;
	s0 =	sshrl.u32 s0, $0x3  }
0xf: {  	[smem:$0x7FF] =	sst s4;
	s12 =	sadd.s32 s0, s6;
	s0 =	sadd.s32 s9, s7  }
0x10: {  	s7 =	sor.u32 $0x50, s11;
	s9 =	sadd.s32 $0xA0, s11;
	s6 =	sadd.s32 s16, s6  }
0x11: {  	s11 =	sadd.s32 $0x230, s11;
	s16 =	sshll.u32 s24, $0x4;
	s14 =	sadd.s32 s6, s14  }
0x12: {  	s15 =	sshll.u32 s7, $0x4;
	s26 =	sadd.s32 s6, s18;
	[dreg:$0x5] =	wrdreg s14  }
0x13: {  	s17 =	sshll.u32 s9, $0x4;
	s18 =	sadd.s32 s6, s16;
	[dreg:$0x8] =	wrdreg s26  }
0x14: {  	s21 =	sshll.u32 s11, $0x4;
	s15 =	sadd.s32 s6, s15;
	[dreg:$0xb] =	wrdreg s18  }
0x15: {  	s7 =	sshll.u32 s7, $0x7;
	s25 =	sadd.s32 s6, s17;
	[dreg:$0x6] =	wrdreg s15  }
0x16: {  	s16 =	sadd.s32 $0x50, s0;
	s17 =	sadd.s32 s6, s20;
	[dreg:$0x7] =	wrdreg s25  }
0x17: {  	s20 =	smul.u32 $0x27100, s23;
	s15 =	sadd.s32 s6, s19;
	[dreg:$0xa] =	wrdreg s17  }
0x18: {  	s6 =	sadd.s32 s6, s21;
	s19 =	sshll.u32 s0, $0x4;
	s21 =	sshrl.u32 s0, $0x3  }
0x19: {  	s25 =	smul.u32 $0x50000, s23;
	s17 =	smax.u32 s8, $0x1;
	s8 =	sshll.u32 s9, $0x7  }
0x1a: {  	s9 =	sshll.u32 s10, $0x7;
	s10 =	sshll.u32 s13, $0x7;
	[dreg:$0x9] =	wrdreg s15  }
0x1b: {  	s13 =	sshll.u32 s24, $0x7;
	[dreg:$0xc] =	wrdreg s6;
	s6 =	sadd.s32 s5, s19  }
0x1c: {  	v0 =	vimm.s32 $0xEDCBA987;
	v1 =	vimm.s32 $0x6543210F;
	s14 =	sadd.s32 s20, s2;
	s26 =	sadd.s32 s1, s21;
	s5 =	sadd.s32 $0x51A00, s12  }
0x1d: {  	v2 =	vimm.s32 $0xFEDCBA9;
	v3 =	vimm.s32 $0x87654321;
	v0 =	vunpack.c.l.s4.s8 v0;
	s19 =	sadd.s32 s7, s3;
	s20 =	sadd.s32 s8, s3;
	s21 =	sadd.s32 s9, s3  }
0x1e: {  	v1 =	vunpack.c.l.s4.s8 v1;
	v2 =	vunpack.c.l.s4.s8 v2;
	v3 =	vunpack.c.l.s4.s8 v3;
	s12 =	sshll.u32 s22, $0x7;
	s22 =	sadd.s32 s10, s3;
	s24 =	sadd.s32 s13, s3  }
0x1f: {  	v0 =	vunpack.c.0.s8.s32 v0;
	s15 =	sshll.u32 s11, $0x7;
	s10 =	sadd.s32 $0xA0, s0;
	s2 =	simm.s32 $0x5080  }
0x20: {  	v1 =	vunpack.c.0.s8.s32 v1;
	v2 =	vunpack.c.0.s8.s32 v2;
	v3 =	vunpack.c.0.s8.s32 v3;
	s0 =	simm.s32 $0x1;
	s7 =	simm.s32 $0x2;
	s8 =	simm.s32 $0x0  }
0x21: {  	[dreg:$0xd] =	wrdreg s6;
	s6 =	sshrl.u32 s25, $0x2;
	s23 =	sadd.s32 s12, s3  }
0x22: {  	v1 =	vcombine.low v1, v0;
	v3 =	vcombine.low v3, v2;
	v2 =	vlaneseq.u32;
	s25 =	sadd.s32 s15, s3;
	_ =	strace $0x80000047;
	[dreg:$0xe] =	wrdreg s26  }
0x23: {  	vm0 =	vcmask $0x3F3C;
	v0 =	vimm.f32 $0.0e+00;
	v4 =	vor.u32 $0x80000000, v2;
	[dreg:$0xf] =	wrdreg s5;
	s18 =	sadd.s32 s6, s3;
	s26 =	sshrl.u32 s16, $0x3  }
0x24: {  	v5 =	vadd.s32 $0x1, v2;
	v1 =	vand.u32 $0xF, v1;
	v3 =	vand.u32 $0xF, v3;
	s5 =	simm.s32 $0x50;
	s6 =	simm.s32 $0x5100;
	s28 =	sadd.s32 s26, s1  }
.LBB2_1:
0x25: {  	s9 =	simm.s32 $0x0;
	s11 =	simm.s32 $0x200  }
.LBB2_2:
0x26: {  	p0 =	sne.s32 s11, $0x9E00;
	[tilespmem:s9+$0x70] =	vst v0  }
0x27: {  	[tilespmem:s9+$0x0] =	vst v0  }
0x28: {  	[tilespmem:s9+$0x10] =	vst v0  }
.Ltmp0:
0x29: {  	[tilespmem:s9+$0x20] =	vst v0;
	(pc) =	sbr.rel @p0 .LBB2_2-.Ltmp0, $4  }
0x2a: {  	[tilespmem:s9+$0x30] =	vst v0  }
0x2b: {  	[tilespmem:s9+$0x40] =	vst v0  }
0x2c: {  	[tilespmem:s9+$0x50] =	vst v0  }
0x2d: {  	[tilespmem:s9+$0x60] =	vst v0;
	s9 =	sshra.s32 s11, $0x2;
	s11 =	sadd.s32 $0x200, s11  }
0x2e: {  	[tilespmem:s9+$0x70] =	vst v0  }
0x2f: {  	[tilespmem:s9+$0x0] =	vst v0  }
0x30: {  	[tilespmem:s9+$0x10] =	vst v0  }
0x31: {  	[tilespmem:s9+$0x20] =	vst v0  }
0x32: {  	[tilespmem:s9+$0x30] =	vst v0  }
0x33: {  	[tilespmem:s9+$0x40] =	vst v0  }
0x34: {  	[tilespmem:s9+$0x50] =	vst v0  }
0x35: {  	[tilespmem:s9+$0x60] =	vst v0;
	s9 =	simm.s32 $0x40;
	s11 =	simm.s32 $0x0  }
.LBB2_4:
0x36: {  	p0 =	sne.s32 s9, $0x9FC0;
	[tilespmem:s11+$0x5100] =	vst v0;
	s11 =	smov.u32 s9;
	s9 =	sadd.s32 $0x40, s9  }
.Ltmp1:
0x37: {  	(pc) =	sbr.rel @p0 .LBB2_4-.Ltmp1, $2  }
0x38: {  	_ =	sdelay $0x2  }
0x39: {  	s11 =	sshra.s32 s11, $0x2  }
0x3a: {  	[tilespmem:s11+$0x5100] =	vst v0;
	s9 =	simm.s32 $0x0  }
0x3b: {  	[spmem:s18] =	stream.linear.scatter [tilespmem:s9], [sflag:$0x3], $0x2800, $0x38;
	[tilespmem:$0x1B900] =	vst v63  }
0x3c: {  	_ =	swait.ge [sflag:s29], $0x2800  }
0x3d: {  	[sflag:s29] =	ssyncset.done $0x0  }
0x3e: {  	[sflag:s29] =	ssyncadd.s32 $0xFFFFD800  }
0x3f: {  	[spmem:s19] =	stream.linear.scatter [tilespmem:s9], [sflag:$0x3], $0x2800, $0x38;
	[tilespmem:$0x1B900] =	vst v63  }
0x40: {  	_ =	swait.ge [sflag:s29], $0x2800  }
0x41: {  	[sflag:s29] =	ssyncset.done $0x0  }
0x42: {  	[sflag:s29] =	ssyncadd.s32 $0xFFFFD800  }
0x43: {  	[spmem:s20] =	stream.linear.scatter [tilespmem:s9], [sflag:$0x3], $0x2800, $0x38;
	[tilespmem:$0x1B900] =	vst v63  }
0x44: {  	_ =	swait.ge [sflag:s29], $0x2800  }
0x45: {  	[sflag:s29] =	ssyncset.done $0x0  }
0x46: {  	[sflag:s29] =	ssyncadd.s32 $0xFFFFD800  }
0x47: {  	[spmem:s21] =	stream.linear.scatter [tilespmem:s9], [sflag:$0x3], $0x2800, $0x38;
	[tilespmem:$0x1B900] =	vst v63  }
0x48: {  	_ =	swait.ge [sflag:s29], $0x2800  }
0x49: {  	[sflag:s29] =	ssyncset.done $0x0  }
0x4a: {  	[sflag:s29] =	ssyncadd.s32 $0xFFFFD800  }
0x4b: {  	[spmem:s22] =	stream.linear.scatter [tilespmem:s9], [sflag:$0x3], $0x2800, $0x38;
	[tilespmem:$0x1B900] =	vst v63  }
0x4c: {  	_ =	swait.ge [sflag:s29], $0x2800  }
0x4d: {  	[sflag:s29] =	ssyncset.done $0x0  }
0x4e: {  	[sflag:s29] =	ssyncadd.s32 $0xFFFFD800  }
0x4f: {  	[spmem:s23] =	stream.linear.scatter [tilespmem:s9], [sflag:$0x3], $0x2800, $0x38;
	[tilespmem:$0x1B900] =	vst v63  }
0x50: {  	_ =	swait.ge [sflag:s29], $0x2800  }
0x51: {  	[sflag:s29] =	ssyncset.done $0x0  }
0x52: {  	[sflag:s29] =	ssyncadd.s32 $0xFFFFD800  }
0x53: {  	[spmem:s24] =	stream.linear.scatter [tilespmem:s9], [sflag:$0x3], $0x2800, $0x38;
	[tilespmem:$0x1B900] =	vst v63  }
0x54: {  	_ =	swait.ge [sflag:s29], $0x2800  }
0x55: {  	[sflag:s29] =	ssyncset.done $0x0  }
0x56: {  	[sflag:s29] =	ssyncadd.s32 $0xFFFFD800  }
0x57: {  	[spmem:s25] =	stream.linear.scatter [tilespmem:s9], [sflag:$0x3], $0x2800, $0x38;
	[tilespmem:$0x1B900] =	vst v63  }
0x58: {  	_ =	swait.ge [sflag:s29], $0x2800  }
0x59: {  	[sflag:s29] =	ssyncset.done $0x0  }
0x5a: {  	[sflag:s29] =	ssyncadd.s32 $0xFFFFD800  }
0x5b: {  	[bflag:$0x0] =	sbarrier.arrive $0xFFFF  }
0x5c: {  	s15 =	rddreg [dreg:$0xd]  }
0x5d: {  	[tilespmem:s9], [sflag:$0x1] =	stream.linear.gather [hbm4b:s15+s9], $0x2800, $0x38;
	[tilespmem:$0x1B900] =	vst v63  }
0x5e: {  	s26 =	sadd.s32 $0x0, s14;
	s16 =	rddreg [dreg:$0xe]  }
0x5f: {  	[tilespmem:s30], [sflag:$0x1] =	stream.linear.gather [hbm4b:s16+s9], $0x50, $0x38;
	[tilespmem:$0x1B900] =	vst v63  }
0x60: {  	s9 =	sadd.s32 $0x500, s26  }
0x61: {  	[tilespmem:s31], [sflag:$0x2] =	stream.linear.gather [hbm4b:s9+s4], $0x2800, $0x38;
	[tilespmem:$0x1B900] =	vst v63  }
0x62: {  	_ = 	snop  }
0x63: {  	[tilespmem:s2], [sflag:$0x2] =	stream.linear.gather [hbm4b:s28+s4], $0x50, $0x38;
	[tilespmem:$0x1B900] =	vst v63  }
0x64: {  	_ =	swait.ge [sflag:s0], $0x2800  }
0x65: {  	[sflag:s0] =	ssyncset.done $0x0  }
0x66: {  	[sflag:s0] =	ssyncadd.s32 $0xFFFFD800  }
0x67: {  	_ =	swait.ge [sflag:s0], $0x50  }
0x68: {  	[sflag:s0] =	ssyncset.done $0x0  }
0x69: {  	[sflag:s0] =	ssyncadd.s32 $0xFFFFFFB0  }
0x6a: {  	[spmem:s3] =	stream.indirect.scatter.add.f32 [tilespmem:s4], [sflag:$0x3], $0x80, s30, s5, $0xb8;
	[tilespmem:$0x1B900] =	vst v63  }
0x6b: {  	_ =	swait.ge [sflag:s29], $0x2800  }
0x6c: {  	[sflag:s29] =	ssyncset.done $0x0  }
0x6d: {  	[sflag:s29] =	ssyncadd.s32 $0xFFFFD800  }
0x6e: {  	v6 =	vld [tilespmem:$0x5000];
	_ =	sdelay $0x4  }
0x6f: {  	v7 =	vperm.xlane v6, v1  }
0x70: {  	vm1 =	veq.s32 v2, $0x0  }
0x71: {  	v7 =	vsel vm1, $0xFFFFFFFF, v7  }
0x72: {  	vm2 =	veq.s32 v7, v6  }
0x73: {  	v7 =	vsel vm2, $0x80000000, v4  }
0x74: {  	(xrf0) =	vmax.scan.msk.u32 $0xffff, v7;
	_ =	sdelay $0x1  }
0x75: {  	v7 =	vperm.xlane v6, v3;
	_ =	sdelay $0x1  }
0x76: {  	vm2 =	vne.s32 v6, v7  }
0x77: {  	vm2 =	vmor vm2, vm0  }
0x78: {  	v7, _, _ =	vpop (xrf0)  }
0x79: {  	v7 =	vxor.u32 $0x80000000, v7  }
0x7a: {  	v7 =	vsub.s32 v5, v7  }
0x7b: {  	v7 =	vcvt.s32.f32 v7;
	_ =	sdelay $0x1  }
0x7c: {  	[tilespmem:v6+s6+$0x0] =	vst.idx.add.f32.msk vm2, v7  }
0x7d: {  	v6 =	vld [tilespmem:$0x5010];
	_ =	sdelay $0x4  }
0x7e: {  	v7 =	vperm.xlane v6, v1;
	_ =	sdelay $0x1  }
0x7f: {  	v7 =	vsel vm1, $0xFFFFFFFF, v7  }
0x80: {  	vm2 =	veq.s32 v7, v6  }
0x81: {  	v7 =	vsel vm2, $0x80000000, v4  }
0x82: {  	(xrf0) =	vmax.scan.msk.u32 $0xffff, v7;
	_ =	sdelay $0x1  }
0x83: {  	v7 =	vperm.xlane v6, v3;
	_ =	sdelay $0x1  }
0x84: {  	vm2 =	vne.s32 v6, v7  }
0x85: {  	vm2 =	vmor vm2, vm0  }
0x86: {  	v7, _, _ =	vpop (xrf0)  }
0x87: {  	v7 =	vxor.u32 $0x80000000, v7  }
0x88: {  	v7 =	vsub.s32 v5, v7  }
0x89: {  	v7 =	vcvt.s32.f32 v7;
	_ =	sdelay $0x1  }
0x8a: {  	[tilespmem:v6+s6+$0x0] =	vst.idx.add.f32.msk vm2, v7  }
0x8b: {  	v6 =	vld [tilespmem:$0x5020];
	_ =	sdelay $0x4  }
0x8c: {  	v7 =	vperm.xlane v6, v1;
	_ =	sdelay $0x1  }
0x8d: {  	v7 =	vsel vm1, $0xFFFFFFFF, v7  }
0x8e: {  	vm2 =	veq.s32 v7, v6  }
0x8f: {  	v7 =	vsel vm2, $0x80000000, v4  }
0x90: {  	(xrf0) =	vmax.scan.msk.u32 $0xffff, v7;
	_ =	sdelay $0x1  }
0x91: {  	v7 =	vperm.xlane v6, v3;
	_ =	sdelay $0x1  }
0x92: {  	vm2 =	vne.s32 v6, v7  }
0x93: {  	vm2 =	vmor vm2, vm0  }
0x94: {  	v7, _, _ =	vpop (xrf0)  }
0x95: {  	v7 =	vxor.u32 $0x80000000, v7  }
0x96: {  	v7 =	vsub.s32 v5, v7  }
0x97: {  	v7 =	vcvt.s32.f32 v7;
	_ =	sdelay $0x1  }
0x98: {  	[tilespmem:v6+s6+$0x0] =	vst.idx.add.f32.msk vm2, v7  }
0x99: {  	v6 =	vld [tilespmem:$0x5030];
	_ =	sdelay $0x4  }
0x9a: {  	v7 =	vperm.xlane v6, v1;
	_ =	sdelay $0x1  }
0x9b: {  	v7 =	vsel vm1, $0xFFFFFFFF, v7  }
0x9c: {  	vm2 =	veq.s32 v7, v6  }
0x9d: {  	v7 =	vsel vm2, $0x80000000, v4  }
0x9e: {  	(xrf0) =	vmax.scan.msk.u32 $0xffff, v7;
	_ =	sdelay $0x1  }
0x9f: {  	v7 =	vperm.xlane v6, v3;
	_ =	sdelay $0x1  }
0xa0: {  	vm2 =	vne.s32 v6, v7  }
0xa1: {  	vm2 =	vmor vm2, vm0  }
0xa2: {  	v7, _, _ =	vpop (xrf0)  }
0xa3: {  	v7 =	vxor.u32 $0x80000000, v7  }
0xa4: {  	v7 =	vsub.s32 v5, v7  }
0xa5: {  	v7 =	vcvt.s32.f32 v7;
	_ =	sdelay $0x1  }
0xa6: {  	[tilespmem:v6+s6+$0x0] =	vst.idx.add.f32.msk vm2, v7  }
0xa7: {  	v6 =	vld [tilespmem:$0x5040];
	_ =	sdelay $0x4  }
0xa8: {  	v7 =	vperm.xlane v6, v1;
	_ =	sdelay $0x1  }
0xa9: {  	v7 =	vsel vm1, $0xFFFFFFFF, v7  }
0xaa: {  	vm2 =	veq.s32 v7, v6  }
0xab: {  	v7 =	vsel vm2, $0x80000000, v4  }
0xac: {  	(xrf0) =	vmax.scan.msk.u32 $0xffff, v7;
	_ =	sdelay $0x1  }
0xad: {  	v7 =	vperm.xlane v6, v3;
	_ =	sdelay $0x1  }
0xae: {  	vm2 =	vne.s32 v6, v7  }
0xaf: {  	vm2 =	vmor vm2, vm0  }
0xb0: {  	v7, _, _ =	vpop (xrf0)  }
0xb1: {  	v7 =	vxor.u32 $0x80000000, v7  }
0xb2: {  	v7 =	vsub.s32 v5, v7  }
0xb3: {  	p0 =	por $0x0, $0x0;
	v7 =	vcvt.s32.f32 v7  }
0xb4: {  	s9 =	sadd.s32 @!p0 $0x0, s14  }
0xb5: {  	s11 =	sshrl.u32 @!p0 s10, $0x3;
	s12 =	simm.s32 @!p0 $0x0;
	s9 =	sadd.s32 @!p0 $0xA00, s9;
	[tilespmem:v6+s6+$0x0] =	vst.idx.add.f32.msk vm2, v7  }
0xb6: {  	[tilespmem:s12], [sflag:$0x1] =	stream.linear.gather @!p0 [hbm4b:s9+s12], $0x2800, $0x38;
	[tilespmem:$0x1B900] =	vst v63  }
0xb7: {  	s9 =	sadd.s32 @!p0 s1, s11;
	s11 =	simm.s32 @!p0 $0x5000  }
0xb8: {  	[tilespmem:s11], [sflag:$0x1] =	stream.linear.gather @!p0 [hbm4b:s9+s12], $0x50, $0x38;
	[tilespmem:$0x1B900] =	vst v63  }
0xb9: {  	_ =	swait.ge [sflag:s7], $0x2800  }
0xba: {  	[sflag:s7] =	ssyncset.done $0x0  }
0xbb: {  	[sflag:s7] =	ssyncadd.s32 $0xFFFFD800  }
0xbc: {  	_ =	swait.ge [sflag:s7], $0x50  }
0xbd: {  	[sflag:s7] =	ssyncset.done $0x0  }
0xbe: {  	[sflag:s7] =	ssyncadd.s32 $0xFFFFFFB0  }
0xbf: {  	[spmem:s3] =	stream.indirect.scatter.add.f32 [tilespmem:s31], [sflag:$0x3], $0x80, s2, s5, $0xb8;
	[tilespmem:$0x1B900] =	vst v63  }
0xc0: {  	_ =	swait.ge [sflag:s29], $0x2800  }
0xc1: {  	[sflag:s29] =	ssyncset.done $0x0  }
0xc2: {  	[sflag:s29] =	ssyncadd.s32 $0xFFFFD800  }
0xc3: {  	v6 =	vld [tilespmem:$0x5080];
	_ =	sdelay $0x4  }
0xc4: {  	v7 =	vperm.xlane v6, v1;
	_ =	sdelay $0x1  }
0xc5: {  	v7 =	vsel vm1, $0xFFFFFFFF, v7  }
0xc6: {  	vm2 =	veq.s32 v7, v6  }
0xc7: {  	v7 =	vsel vm2, $0x80000000, v4  }
0xc8: {  	(xrf0) =	vmax.scan.msk.u32 $0xffff, v7;
	_ =	sdelay $0x1  }
0xc9: {  	v7 =	vperm.xlane v6, v3;
	_ =	sdelay $0x1  }
0xca: {  	vm2 =	vne.s32 v6, v7  }
0xcb: {  	vm2 =	vmor vm2, vm0  }
0xcc: {  	v7, _, _ =	vpop (xrf0)  }
0xcd: {  	v7 =	vxor.u32 $0x80000000, v7  }
0xce: {  	v7 =	vsub.s32 v5, v7  }
0xcf: {  	v7 =	vcvt.s32.f32 v7;
	_ =	sdelay $0x1  }
0xd0: {  	[tilespmem:v6+s6+$0x0] =	vst.idx.add.f32.msk vm2, v7  }
0xd1: {  	v6 =	vld [tilespmem:$0x5090];
	_ =	sdelay $0x4  }
0xd2: {  	v7 =	vperm.xlane v6, v1;
	_ =	sdelay $0x1  }
0xd3: {  	v7 =	vsel vm1, $0xFFFFFFFF, v7  }
0xd4: {  	vm2 =	veq.s32 v7, v6  }
0xd5: {  	v7 =	vsel vm2, $0x80000000, v4  }
0xd6: {  	(xrf0) =	vmax.scan.msk.u32 $0xffff, v7;
	_ =	sdelay $0x1  }
0xd7: {  	v7 =	vperm.xlane v6, v3;
	_ =	sdelay $0x1  }
0xd8: {  	vm2 =	vne.s32 v6, v7  }
0xd9: {  	vm2 =	vmor vm2, vm0  }
0xda: {  	v7, _, _ =	vpop (xrf0)  }
0xdb: {  	v7 =	vxor.u32 $0x80000000, v7  }
0xdc: {  	v7 =	vsub.s32 v5, v7  }
0xdd: {  	v7 =	vcvt.s32.f32 v7;
	_ =	sdelay $0x1  }
0xde: {  	[tilespmem:v6+s6+$0x0] =	vst.idx.add.f32.msk vm2, v7  }
0xdf: {  	v6 =	vld [tilespmem:$0x50A0];
	_ =	sdelay $0x4  }
0xe0: {  	v7 =	vperm.xlane v6, v1;
	_ =	sdelay $0x1  }
0xe1: {  	v7 =	vsel vm1, $0xFFFFFFFF, v7  }
0xe2: {  	vm2 =	veq.s32 v7, v6  }
0xe3: {  	v7 =	vsel vm2, $0x80000000, v4  }
0xe4: {  	(xrf0) =	vmax.scan.msk.u32 $0xffff, v7;
	_ =	sdelay $0x1  }
0xe5: {  	v7 =	vperm.xlane v6, v3;
	_ =	sdelay $0x1  }
0xe6: {  	vm2 =	vne.s32 v6, v7  }
0xe7: {  	vm2 =	vmor vm2, vm0  }
0xe8: {  	v7, _, _ =	vpop (xrf0)  }
0xe9: {  	v7 =	vxor.u32 $0x80000000, v7  }
0xea: {  	v7 =	vsub.s32 v5, v7  }
0xeb: {  	v7 =	vcvt.s32.f32 v7;
	_ =	sdelay $0x1  }
0xec: {  	[tilespmem:v6+s6+$0x0] =	vst.idx.add.f32.msk vm2, v7  }
0xed: {  	v6 =	vld [tilespmem:$0x50B0];
	_ =	sdelay $0x4  }
0xee: {  	v7 =	vperm.xlane v6, v1;
	_ =	sdelay $0x1  }
0xef: {  	v7 =	vsel vm1, $0xFFFFFFFF, v7  }
0xf0: {  	vm2 =	veq.s32 v7, v6  }
0xf1: {  	v7 =	vsel vm2, $0x80000000, v4  }
0xf2: {  	(xrf0) =	vmax.scan.msk.u32 $0xffff, v7;
	_ =	sdelay $0x1  }
0xf3: {  	v7 =	vperm.xlane v6, v3;
	_ =	sdelay $0x1  }
0xf4: {  	vm2 =	vne.s32 v6, v7  }
0xf5: {  	vm2 =	vmor vm2, vm0  }
0xf6: {  	v7, _, _ =	vpop (xrf0)  }
0xf7: {  	v7 =	vxor.u32 $0x80000000, v7  }
0xf8: {  	v7 =	vsub.s32 v5, v7  }
0xf9: {  	v7 =	vcvt.s32.f32 v7;
	_ =	sdelay $0x1  }
0xfa: {  	[tilespmem:v6+s6+$0x0] =	vst.idx.add.f32.msk vm2, v7  }
0xfb: {  	v6 =	vld [tilespmem:$0x50C0];
	_ =	sdelay $0x4  }
0xfc: {  	v7 =	vperm.xlane v6, v1;
	_ =	sdelay $0x1  }
0xfd: {  	v7 =	vsel vm1, $0xFFFFFFFF, v7  }
0xfe: {  	vm2 =	veq.s32 v7, v6  }
0xff: {  	v7 =	vsel vm2, $0x80000000, v4  }
0x100: {  	(xrf0) =	vmax.scan.msk.u32 $0xffff, v7;
	_ =	sdelay $0x1  }
0x101: {  	v7 =	vperm.xlane v6, v3;
	_ =	sdelay $0x1  }
0x102: {  	vm2 =	vne.s32 v6, v7  }
0x103: {  	vm2 =	vmor vm2, vm0  }
0x104: {  	v8, _, _ =	vpop (xrf0)  }
0x105: {  	v8 =	vxor.u32 $0x80000000, v8  }
0x106: {  	s13 =	sadd.s32 $0xA00, s14;
	s26 =	smov.u32 s10;
	v7 =	vsub.s32 v5, v8  }
0x107: {  	s9 =	simm.s32 $0xA00;
	s12 =	simm.s32 $0x1400;
	s11 =	sadd.s32 $0x14, s28;
	v7 =	vcvt.s32.f32 v7  }
.LBB2_6:
0x108: {  	s15 =	sadd.s32 $0x500, s13  }
0x109: {  	[tilespmem:v6+s6+$0x0] =	vst.idx.add.f32.msk vm2, v7;
	s26 =	sadd.s32 $0xA0, s26;
	s13 =	smov.u32 s12;
	s12 =	sadd.s32 $0xA00, s12  }
0x10a: {  	[tilespmem:s31], [sflag:$0x2] =	stream.linear.gather [hbm4b:s15+s4], $0x2800, $0x38;
	[tilespmem:$0x1B900] =	vst v63  }
0x10b: {  	p0 =	sne.s32 s12, $0x27600  }
0x10c: {  	[tilespmem:s2], [sflag:$0x2] =	stream.linear.gather [hbm4b:s11+s4], $0x50, $0x38;
	[tilespmem:$0x1B900] =	vst v63  }
0x10d: {  	_ =	swait.ge [sflag:s0], $0x2800  }
0x10e: {  	[sflag:s0] =	ssyncset.done $0x0  }
0x10f: {  	[sflag:s0] =	ssyncadd.s32 $0xFFFFD800  }
0x110: {  	_ =	swait.ge [sflag:s0], $0x50  }
0x111: {  	[sflag:s0] =	ssyncset.done $0x0  }
0x112: {  	[sflag:s0] =	ssyncadd.s32 $0xFFFFFFB0  }
0x113: {  	[spmem:s3] =	stream.indirect.scatter.add.f32 [tilespmem:s4], [sflag:$0x3], $0x80, s30, s5, $0xb8;
	[tilespmem:$0x1B900] =	vst v63  }
0x114: {  	_ =	swait.ge [sflag:s29], $0x2800  }
0x115: {  	[sflag:s29] =	ssyncset.done $0x0  }
0x116: {  	[sflag:s29] =	ssyncadd.s32 $0xFFFFD800  }
0x117: {  	v6 =	vld [tilespmem:$0x5000];
	_ =	sdelay $0x4  }
0x118: {  	v7 =	vperm.xlane v6, v1;
	v8 =	vperm.xlane v6, v3;
	_ =	sdelay $0x1  }
0x119: {  	v7 =	vsel vm1, $0xFFFFFFFF, v7;
	vm2 =	vne.s32 v6, v8  }
0x11a: {  	vm3 =	veq.s32 v7, v6  }
0x11b: {  	v7 =	vsel vm3, $0x80000000, v4  }
0x11c: {  	(xrf0) =	vmax.scan.msk.u32 $0xffff, v7;
	_ =	sdelay $0x4  }
0x11d: {  	vm2 =	vmor vm2, vm0  }
0x11e: {  	v7, _, _ =	vpop (xrf0)  }
0x11f: {  	v7 =	vxor.u32 $0x80000000, v7  }
0x120: {  	v7 =	vsub.s32 v5, v7  }
0x121: {  	v7 =	vcvt.s32.f32 v7;
	_ =	sdelay $0x1  }
0x122: {  	[tilespmem:v6+s6+$0x0] =	vst.idx.add.f32.msk vm2, v7  }
0x123: {  	v6 =	vld [tilespmem:$0x5010];
	_ =	sdelay $0x4  }
0x124: {  	v7 =	vperm.xlane v6, v1;
	v8 =	vperm.xlane v6, v3;
	_ =	sdelay $0x1  }
0x125: {  	v7 =	vsel vm1, $0xFFFFFFFF, v7;
	vm2 =	vne.s32 v6, v8  }
0x126: {  	vm3 =	veq.s32 v7, v6  }
0x127: {  	v7 =	vsel vm3, $0x80000000, v4  }
0x128: {  	(xrf0) =	vmax.scan.msk.u32 $0xffff, v7;
	_ =	sdelay $0x4  }
0x129: {  	vm2 =	vmor vm2, vm0  }
0x12a: {  	v7, _, _ =	vpop (xrf0)  }
0x12b: {  	v7 =	vxor.u32 $0x80000000, v7  }
0x12c: {  	v7 =	vsub.s32 v5, v7  }
0x12d: {  	v7 =	vcvt.s32.f32 v7;
	_ =	sdelay $0x1  }
0x12e: {  	[tilespmem:v6+s6+$0x0] =	vst.idx.add.f32.msk vm2, v7  }
0x12f: {  	v6 =	vld [tilespmem:$0x5020];
	_ =	sdelay $0x4  }
0x130: {  	v7 =	vperm.xlane v6, v1;
	v8 =	vperm.xlane v6, v3;
	_ =	sdelay $0x1  }
0x131: {  	v7 =	vsel vm1, $0xFFFFFFFF, v7;
	vm2 =	vne.s32 v6, v8  }
0x132: {  	vm3 =	veq.s32 v7, v6  }
0x133: {  	v7 =	vsel vm3, $0x80000000, v4  }
0x134: {  	(xrf0) =	vmax.scan.msk.u32 $0xffff, v7;
	_ =	sdelay $0x4  }
0x135: {  	vm2 =	vmor vm2, vm0  }
0x136: {  	v7, _, _ =	vpop (xrf0)  }
0x137: {  	v7 =	vxor.u32 $0x80000000, v7  }
0x138: {  	v7 =	vsub.s32 v5, v7  }
0x139: {  	v7 =	vcvt.s32.f32 v7;
	_ =	sdelay $0x1  }
0x13a: {  	[tilespmem:v6+s6+$0x0] =	vst.idx.add.f32.msk vm2, v7  }
0x13b: {  	v6 =	vld [tilespmem:$0x5030];
	_ =	sdelay $0x4  }
0x13c: {  	v7 =	vperm.xlane v6, v1;
	v8 =	vperm.xlane v6, v3;
	_ =	sdelay $0x1  }
0x13d: {  	v7 =	vsel vm1, $0xFFFFFFFF, v7;
	vm2 =	vne.s32 v6, v8  }
0x13e: {  	vm3 =	veq.s32 v7, v6  }
0x13f: {  	v7 =	vsel vm3, $0x80000000, v4  }
0x140: {  	(xrf0) =	vmax.scan.msk.u32 $0xffff, v7;
	_ =	sdelay $0x4  }
0x141: {  	vm2 =	vmor vm2, vm0  }
0x142: {  	v7, _, _ =	vpop (xrf0)  }
0x143: {  	v7 =	vxor.u32 $0x80000000, v7  }
0x144: {  	v7 =	vsub.s32 v5, v7  }
0x145: {  	v7 =	vcvt.s32.f32 v7;
	_ =	sdelay $0x1  }
0x146: {  	[tilespmem:v6+s6+$0x0] =	vst.idx.add.f32.msk vm2, v7  }
0x147: {  	v6 =	vld [tilespmem:$0x5040];
	_ =	sdelay $0x4  }
0x148: {  	v7 =	vperm.xlane v6, v1;
	v8 =	vperm.xlane v6, v3;
	_ =	sdelay $0x1  }
0x149: {  	v7 =	vsel vm1, $0xFFFFFFFF, v7;
	vm2 =	vne.s32 v6, v8  }
0x14a: {  	vm3 =	veq.s32 v7, v6  }
0x14b: {  	v7 =	vsel vm3, $0x80000000, v4  }
0x14c: {  	(xrf0) =	vmax.scan.msk.u32 $0xffff, v7;
	_ =	sdelay $0x4  }
0x14d: {  	vm2 =	vmor vm2, vm0  }
0x14e: {  	v7, _, _ =	vpop (xrf0)  }
0x14f: {  	v7 =	vxor.u32 $0x80000000, v7  }
0x150: {  	v7 =	vsub.s32 v5, v7  }
0x151: {  	p1 =	seq.s32 s9, $0x26C00;
	v7 =	vcvt.s32.f32 v7  }
0x152: {  	s15 =	sadd.s32 @!p1 s9, s14;
	s16 =	sshrl.u32 @!p1 s26, $0x3;
	s9 =	smov.u32 s13  }
0x153: {  	s13 =	sadd.s32 @!p1 $0xA00, s15;
	s15 =	simm.s32 @!p1 $0x0;
	s16 =	sadd.s32 @!p1 s1, s16;
	[tilespmem:v6+s6+$0x0] =	vst.idx.add.f32.msk vm2, v7  }
0x154: {  	[tilespmem:s15], [sflag:$0x1] =	stream.linear.gather @!p1 [hbm4b:s13+s15], $0x2800, $0x38;
	[tilespmem:$0x1B900] =	vst v63  }
0x155: {  	s13 =	simm.s32 @!p1 $0x5000  }
0x156: {  	[tilespmem:s13], [sflag:$0x1] =	stream.linear.gather @!p1 [hbm4b:s16+s15], $0x50, $0x38;
	[tilespmem:$0x1B900] =	vst v63  }
0x157: {  	_ =	swait.ge [sflag:s7], $0x2800  }
0x158: {  	[sflag:s7] =	ssyncset.done $0x0  }
0x159: {  	[sflag:s7] =	ssyncadd.s32 $0xFFFFD800  }
0x15a: {  	_ =	swait.ge [sflag:s7], $0x50  }
0x15b: {  	[sflag:s7] =	ssyncset.done $0x0  }
0x15c: {  	[sflag:s7] =	ssyncadd.s32 $0xFFFFFFB0  }
0x15d: {  	[spmem:s3] =	stream.indirect.scatter.add.f32 [tilespmem:s31], [sflag:$0x3], $0x80, s2, s5, $0xb8;
	[tilespmem:$0x1B900] =	vst v63  }
0x15e: {  	_ =	swait.ge [sflag:s29], $0x2800  }
0x15f: {  	[sflag:s29] =	ssyncset.done $0x0  }
0x160: {  	[sflag:s29] =	ssyncadd.s32 $0xFFFFD800  }
0x161: {  	v6 =	vld [tilespmem:$0x5080];
	_ =	sdelay $0x4  }
0x162: {  	v7 =	vperm.xlane v6, v1;
	v8 =	vperm.xlane v6, v3;
	_ =	sdelay $0x1  }
0x163: {  	v7 =	vsel vm1, $0xFFFFFFFF, v7;
	vm2 =	vne.s32 v6, v8  }
0x164: {  	vm3 =	veq.s32 v7, v6  }
0x165: {  	v7 =	vsel vm3, $0x80000000, v4  }
0x166: {  	(xrf0) =	vmax.scan.msk.u32 $0xffff, v7;
	_ =	sdelay $0x4  }
0x167: {  	vm2 =	vmor vm2, vm0  }
0x168: {  	v7, _, _ =	vpop (xrf0)  }
0x169: {  	v7 =	vxor.u32 $0x80000000, v7  }
0x16a: {  	v7 =	vsub.s32 v5, v7  }
0x16b: {  	v7 =	vcvt.s32.f32 v7;
	_ =	sdelay $0x1  }
0x16c: {  	[tilespmem:v6+s6+$0x0] =	vst.idx.add.f32.msk vm2, v7  }
0x16d: {  	v6 =	vld [tilespmem:$0x5090];
	_ =	sdelay $0x4  }
0x16e: {  	v7 =	vperm.xlane v6, v1;
	v8 =	vperm.xlane v6, v3;
	_ =	sdelay $0x1  }
0x16f: {  	v7 =	vsel vm1, $0xFFFFFFFF, v7;
	vm2 =	vne.s32 v6, v8  }
0x170: {  	vm3 =	veq.s32 v7, v6  }
0x171: {  	v7 =	vsel vm3, $0x80000000, v4  }
0x172: {  	(xrf0) =	vmax.scan.msk.u32 $0xffff, v7;
	_ =	sdelay $0x4  }
0x173: {  	vm2 =	vmor vm2, vm0  }
0x174: {  	v7, _, _ =	vpop (xrf0)  }
0x175: {  	v7 =	vxor.u32 $0x80000000, v7  }
0x176: {  	v7 =	vsub.s32 v5, v7  }
0x177: {  	v7 =	vcvt.s32.f32 v7;
	_ =	sdelay $0x1  }
0x178: {  	[tilespmem:v6+s6+$0x0] =	vst.idx.add.f32.msk vm2, v7  }
0x179: {  	v6 =	vld [tilespmem:$0x50A0];
	_ =	sdelay $0x4  }
0x17a: {  	v7 =	vperm.xlane v6, v1;
	v8 =	vperm.xlane v6, v3;
	_ =	sdelay $0x1  }
0x17b: {  	v7 =	vsel vm1, $0xFFFFFFFF, v7;
	vm2 =	vne.s32 v6, v8  }
0x17c: {  	vm3 =	veq.s32 v7, v6  }
0x17d: {  	v7 =	vsel vm3, $0x80000000, v4  }
0x17e: {  	(xrf0) =	vmax.scan.msk.u32 $0xffff, v7;
	_ =	sdelay $0x4  }
0x17f: {  	vm2 =	vmor vm2, vm0  }
0x180: {  	v7, _, _ =	vpop (xrf0)  }
0x181: {  	v7 =	vxor.u32 $0x80000000, v7  }
0x182: {  	v7 =	vsub.s32 v5, v7  }
0x183: {  	v7 =	vcvt.s32.f32 v7;
	_ =	sdelay $0x1  }
0x184: {  	[tilespmem:v6+s6+$0x0] =	vst.idx.add.f32.msk vm2, v7  }
0x185: {  	v6 =	vld [tilespmem:$0x50B0];
	_ =	sdelay $0x4  }
0x186: {  	v7 =	vperm.xlane v6, v1;
	v8 =	vperm.xlane v6, v3;
	_ =	sdelay $0x1  }
0x187: {  	v7 =	vsel vm1, $0xFFFFFFFF, v7;
	vm2 =	vne.s32 v6, v8  }
0x188: {  	vm3 =	veq.s32 v7, v6  }
0x189: {  	v7 =	vsel vm3, $0x80000000, v4  }
0x18a: {  	(xrf0) =	vmax.scan.msk.u32 $0xffff, v7;
	_ =	sdelay $0x4  }
0x18b: {  	vm2 =	vmor vm2, vm0  }
0x18c: {  	v7, _, _ =	vpop (xrf0)  }
0x18d: {  	v7 =	vxor.u32 $0x80000000, v7  }
0x18e: {  	v7 =	vsub.s32 v5, v7  }
0x18f: {  	v7 =	vcvt.s32.f32 v7;
	_ =	sdelay $0x1  }
0x190: {  	[tilespmem:v6+s6+$0x0] =	vst.idx.add.f32.msk vm2, v7  }
0x191: {  	v6 =	vld [tilespmem:$0x50C0];
	_ =	sdelay $0x4  }
0x192: {  	v7 =	vperm.xlane v6, v1;
	v8 =	vperm.xlane v6, v3;
	_ =	sdelay $0x1  }
0x193: {  	v7 =	vsel vm1, $0xFFFFFFFF, v7;
	vm2 =	vne.s32 v6, v8  }
0x194: {  	vm3 =	veq.s32 v7, v6  }
0x195: {  	v7 =	vsel vm3, $0x80000000, v4  }
0x196: {  	(xrf0) =	vmax.scan.msk.u32 $0xffff, v7;
	_ =	sdelay $0x4  }
0x197: {  	vm2 =	vmor vm2, vm0  }
.Ltmp2:
0x198: {  	v7, _, _ =	vpop (xrf0);
	(pc) =	sbr.rel @p0 .LBB2_6-.Ltmp2, $4  }
0x199: {  	v7 =	vxor.u32 $0x80000000, v7  }
0x19a: {  	v7 =	vsub.s32 v5, v7  }
0x19b: {  	v7 =	vcvt.s32.f32 v7  }
0x19c: {  	s11 =	sadd.s32 $0x14, s11;
	s13 =	sadd.s32 s9, s14  }
0x19d: {  	_ =	sdelay $0x4  }
0x19e: {  	s12 =	sadd.s32 $0x500, s13;
	[tilespmem:v6+s6+$0x0] =	vst.idx.add.f32.msk vm2, v7  }
0x19f: {  	[tilespmem:s31], [sflag:$0x2] =	stream.linear.gather [hbm4b:s12+s4], $0x2800, $0x38;
	[tilespmem:$0x1B900] =	vst v63  }
0x1a0: {  	_ = 	snop  }
0x1a1: {  	[tilespmem:s2], [sflag:$0x2] =	stream.linear.gather [hbm4b:s11+s4], $0x50, $0x38;
	[tilespmem:$0x1B900] =	vst v63  }
0x1a2: {  	_ =	swait.ge [sflag:s0], $0x2800  }
0x1a3: {  	[sflag:s0] =	ssyncset.done $0x0  }
0x1a4: {  	[sflag:s0] =	ssyncadd.s32 $0xFFFFD800  }
0x1a5: {  	_ =	swait.ge [sflag:s0], $0x50  }
0x1a6: {  	[sflag:s0] =	ssyncset.done $0x0  }
0x1a7: {  	[sflag:s0] =	ssyncadd.s32 $0xFFFFFFB0  }
0x1a8: {  	[spmem:s3] =	stream.indirect.scatter.add.f32 [tilespmem:s4], [sflag:$0x3], $0x80, s30, s5, $0xb8;
	[tilespmem:$0x1B900] =	vst v63  }
0x1a9: {  	_ =	swait.ge [sflag:s29], $0x2800  }
0x1aa: {  	[sflag:s29] =	ssyncset.done $0x0  }
0x1ab: {  	[sflag:s29] =	ssyncadd.s32 $0xFFFFD800  }
0x1ac: {  	v6 =	vld [tilespmem:$0x5000];
	_ =	sdelay $0x4  }
0x1ad: {  	v7 =	vperm.xlane v6, v1  }
0x1ae: {  	vm1 =	veq.s32 v2, $0x0  }
0x1af: {  	v7 =	vsel vm1, $0xFFFFFFFF, v7  }
0x1b0: {  	vm2 =	veq.s32 v7, v6  }
0x1b1: {  	v7 =	vsel vm2, $0x80000000, v4  }
0x1b2: {  	(xrf0) =	vmax.scan.msk.u32 $0xffff, v7;
	_ =	sdelay $0x1  }
0x1b3: {  	v7 =	vperm.xlane v6, v3;
	_ =	sdelay $0x1  }
0x1b4: {  	vm2 =	vne.s32 v6, v7  }
0x1b5: {  	vm2 =	vmor vm2, vm0  }
0x1b6: {  	v7, _, _ =	vpop (xrf0)  }
0x1b7: {  	v7 =	vxor.u32 $0x80000000, v7  }
0x1b8: {  	v7 =	vsub.s32 v5, v7  }
0x1b9: {  	v7 =	vcvt.s32.f32 v7;
	_ =	sdelay $0x1  }
0x1ba: {  	[tilespmem:v6+s6+$0x0] =	vst.idx.add.f32.msk vm2, v7  }
0x1bb: {  	v6 =	vld [tilespmem:$0x5010];
	_ =	sdelay $0x4  }
0x1bc: {  	v7 =	vperm.xlane v6, v1;
	_ =	sdelay $0x1  }
0x1bd: {  	v7 =	vsel vm1, $0xFFFFFFFF, v7  }
0x1be: {  	vm2 =	veq.s32 v7, v6  }
0x1bf: {  	v7 =	vsel vm2, $0x80000000, v4  }
0x1c0: {  	(xrf0) =	vmax.scan.msk.u32 $0xffff, v7;
	_ =	sdelay $0x1  }
0x1c1: {  	v7 =	vperm.xlane v6, v3;
	_ =	sdelay $0x1  }
0x1c2: {  	vm2 =	vne.s32 v6, v7  }
0x1c3: {  	vm2 =	vmor vm2, vm0  }
0x1c4: {  	v7, _, _ =	vpop (xrf0)  }
0x1c5: {  	v7 =	vxor.u32 $0x80000000, v7  }
0x1c6: {  	v7 =	vsub.s32 v5, v7  }
0x1c7: {  	v7 =	vcvt.s32.f32 v7;
	_ =	sdelay $0x1  }
0x1c8: {  	[tilespmem:v6+s6+$0x0] =	vst.idx.add.f32.msk vm2, v7  }
0x1c9: {  	v6 =	vld [tilespmem:$0x5020];
	_ =	sdelay $0x4  }
0x1ca: {  	v7 =	vperm.xlane v6, v1;
	_ =	sdelay $0x1  }
0x1cb: {  	v7 =	vsel vm1, $0xFFFFFFFF, v7  }
0x1cc: {  	vm2 =	veq.s32 v7, v6  }
0x1cd: {  	v7 =	vsel vm2, $0x80000000, v4  }
0x1ce: {  	(xrf0) =	vmax.scan.msk.u32 $0xffff, v7;
	_ =	sdelay $0x1  }
0x1cf: {  	v7 =	vperm.xlane v6, v3;
	_ =	sdelay $0x1  }
0x1d0: {  	vm2 =	vne.s32 v6, v7  }
0x1d1: {  	vm2 =	vmor vm2, vm0  }
0x1d2: {  	v7, _, _ =	vpop (xrf0)  }
0x1d3: {  	v7 =	vxor.u32 $0x80000000, v7  }
0x1d4: {  	v7 =	vsub.s32 v5, v7  }
0x1d5: {  	v7 =	vcvt.s32.f32 v7;
	_ =	sdelay $0x1  }
0x1d6: {  	[tilespmem:v6+s6+$0x0] =	vst.idx.add.f32.msk vm2, v7  }
0x1d7: {  	v6 =	vld [tilespmem:$0x5030];
	_ =	sdelay $0x4  }
0x1d8: {  	v7 =	vperm.xlane v6, v1;
	_ =	sdelay $0x1  }
0x1d9: {  	v7 =	vsel vm1, $0xFFFFFFFF, v7  }
0x1da: {  	vm2 =	veq.s32 v7, v6  }
0x1db: {  	v7 =	vsel vm2, $0x80000000, v4  }
0x1dc: {  	(xrf0) =	vmax.scan.msk.u32 $0xffff, v7;
	_ =	sdelay $0x1  }
0x1dd: {  	v7 =	vperm.xlane v6, v3;
	_ =	sdelay $0x1  }
0x1de: {  	vm2 =	vne.s32 v6, v7  }
0x1df: {  	vm2 =	vmor vm2, vm0  }
0x1e0: {  	v7, _, _ =	vpop (xrf0)  }
0x1e1: {  	v7 =	vxor.u32 $0x80000000, v7  }
0x1e2: {  	v7 =	vsub.s32 v5, v7  }
0x1e3: {  	v7 =	vcvt.s32.f32 v7;
	_ =	sdelay $0x1  }
0x1e4: {  	[tilespmem:v6+s6+$0x0] =	vst.idx.add.f32.msk vm2, v7  }
0x1e5: {  	v6 =	vld [tilespmem:$0x5040];
	_ =	sdelay $0x4  }
0x1e6: {  	v7 =	vperm.xlane v6, v1;
	_ =	sdelay $0x1  }
0x1e7: {  	v7 =	vsel vm1, $0xFFFFFFFF, v7  }
0x1e8: {  	vm2 =	veq.s32 v7, v6  }
0x1e9: {  	v7 =	vsel vm2, $0x80000000, v4  }
0x1ea: {  	(xrf0) =	vmax.scan.msk.u32 $0xffff, v7;
	_ =	sdelay $0x1  }
0x1eb: {  	v7 =	vperm.xlane v6, v3;
	_ =	sdelay $0x1  }
0x1ec: {  	vm2 =	vne.s32 v6, v7  }
0x1ed: {  	vm2 =	vmor vm2, vm0  }
0x1ee: {  	v7, _, _ =	vpop (xrf0)  }
0x1ef: {  	v7 =	vxor.u32 $0x80000000, v7  }
0x1f0: {  	v7 =	vsub.s32 v5, v7  }
0x1f1: {  	p0 =	seq.s32 s9, $0x26C00;
	v7 =	vcvt.s32.f32 v7  }
0x1f2: {  	s9 =	sadd.s32 @!p0 s9, s14;
	s11 =	sadd.s32 $0xA0, s26  }
0x1f3: {  	s12 =	simm.s32 @!p0 $0x0;
	s9 =	sadd.s32 @!p0 $0xA00, s9;
	s11 =	sshrl.u32 @!p0 s11, $0x3;
	[tilespmem:v6+s6+$0x0] =	vst.idx.add.f32.msk vm2, v7  }
0x1f4: {  	[tilespmem:s12], [sflag:$0x1] =	stream.linear.gather @!p0 [hbm4b:s9+s12], $0x2800, $0x38;
	[tilespmem:$0x1B900] =	vst v63  }
0x1f5: {  	s9 =	sadd.s32 @!p0 s1, s11;
	s11 =	simm.s32 @!p0 $0x5000  }
0x1f6: {  	[tilespmem:s11], [sflag:$0x1] =	stream.linear.gather @!p0 [hbm4b:s9+s12], $0x50, $0x38;
	[tilespmem:$0x1B900] =	vst v63  }
0x1f7: {  	_ =	swait.ge [sflag:s7], $0x2800  }
0x1f8: {  	[sflag:s7] =	ssyncset.done $0x0  }
0x1f9: {  	[sflag:s7] =	ssyncadd.s32 $0xFFFFD800  }
0x1fa: {  	_ =	swait.ge [sflag:s7], $0x50  }
0x1fb: {  	[sflag:s7] =	ssyncset.done $0x0  }
0x1fc: {  	[sflag:s7] =	ssyncadd.s32 $0xFFFFFFB0  }
0x1fd: {  	[spmem:s3] =	stream.indirect.scatter.add.f32 [tilespmem:s31], [sflag:$0x3], $0x80, s2, s5, $0xb8;
	[tilespmem:$0x1B900] =	vst v63  }
0x1fe: {  	_ =	swait.ge [sflag:s29], $0x2800  }
0x1ff: {  	[sflag:s29] =	ssyncset.done $0x0  }
0x200: {  	[sflag:s29] =	ssyncadd.s32 $0xFFFFD800  }
0x201: {  	v6 =	vld [tilespmem:$0x5080];
	_ =	sdelay $0x4  }
0x202: {  	v7 =	vperm.xlane v6, v1;
	_ =	sdelay $0x1  }
0x203: {  	v7 =	vsel vm1, $0xFFFFFFFF, v7  }
0x204: {  	vm2 =	veq.s32 v7, v6  }
0x205: {  	v7 =	vsel vm2, $0x80000000, v4  }
0x206: {  	(xrf0) =	vmax.scan.msk.u32 $0xffff, v7;
	_ =	sdelay $0x1  }
0x207: {  	v7 =	vperm.xlane v6, v3;
	_ =	sdelay $0x1  }
0x208: {  	vm2 =	vne.s32 v6, v7  }
0x209: {  	vm2 =	vmor vm2, vm0  }
0x20a: {  	v7, _, _ =	vpop (xrf0)  }
0x20b: {  	v7 =	vxor.u32 $0x80000000, v7  }
0x20c: {  	v7 =	vsub.s32 v5, v7  }
0x20d: {  	v7 =	vcvt.s32.f32 v7;
	_ =	sdelay $0x1  }
0x20e: {  	[tilespmem:v6+s6+$0x0] =	vst.idx.add.f32.msk vm2, v7  }
0x20f: {  	v6 =	vld [tilespmem:$0x5090];
	_ =	sdelay $0x4  }
0x210: {  	v7 =	vperm.xlane v6, v1;
	_ =	sdelay $0x1  }
0x211: {  	v7 =	vsel vm1, $0xFFFFFFFF, v7  }
0x212: {  	vm2 =	veq.s32 v7, v6  }
0x213: {  	v7 =	vsel vm2, $0x80000000, v4  }
0x214: {  	(xrf0) =	vmax.scan.msk.u32 $0xffff, v7;
	_ =	sdelay $0x1  }
0x215: {  	v7 =	vperm.xlane v6, v3;
	_ =	sdelay $0x1  }
0x216: {  	vm2 =	vne.s32 v6, v7  }
0x217: {  	vm2 =	vmor vm2, vm0  }
0x218: {  	v7, _, _ =	vpop (xrf0)  }
0x219: {  	v7 =	vxor.u32 $0x80000000, v7  }
0x21a: {  	v7 =	vsub.s32 v5, v7  }
0x21b: {  	v7 =	vcvt.s32.f32 v7;
	_ =	sdelay $0x1  }
0x21c: {  	[tilespmem:v6+s6+$0x0] =	vst.idx.add.f32.msk vm2, v7  }
0x21d: {  	v6 =	vld [tilespmem:$0x50A0];
	_ =	sdelay $0x4  }
0x21e: {  	v7 =	vperm.xlane v6, v1;
	_ =	sdelay $0x1  }
0x21f: {  	v7 =	vsel vm1, $0xFFFFFFFF, v7  }
0x220: {  	vm2 =	veq.s32 v7, v6  }
0x221: {  	v7 =	vsel vm2, $0x80000000, v4  }
0x222: {  	(xrf0) =	vmax.scan.msk.u32 $0xffff, v7;
	_ =	sdelay $0x1  }
0x223: {  	v7 =	vperm.xlane v6, v3;
	_ =	sdelay $0x1  }
0x224: {  	vm2 =	vne.s32 v6, v7  }
0x225: {  	vm2 =	vmor vm2, vm0  }
0x226: {  	v7, _, _ =	vpop (xrf0)  }
0x227: {  	v7 =	vxor.u32 $0x80000000, v7  }
0x228: {  	v7 =	vsub.s32 v5, v7  }
0x229: {  	v7 =	vcvt.s32.f32 v7;
	_ =	sdelay $0x1  }
0x22a: {  	[tilespmem:v6+s6+$0x0] =	vst.idx.add.f32.msk vm2, v7  }
0x22b: {  	v6 =	vld [tilespmem:$0x50B0];
	_ =	sdelay $0x4  }
0x22c: {  	v7 =	vperm.xlane v6, v1;
	_ =	sdelay $0x1  }
0x22d: {  	v7 =	vsel vm1, $0xFFFFFFFF, v7  }
0x22e: {  	vm2 =	veq.s32 v7, v6  }
0x22f: {  	v7 =	vsel vm2, $0x80000000, v4  }
0x230: {  	(xrf0) =	vmax.scan.msk.u32 $0xffff, v7;
	_ =	sdelay $0x1  }
0x231: {  	v7 =	vperm.xlane v6, v3;
	_ =	sdelay $0x1  }
0x232: {  	vm2 =	vne.s32 v6, v7  }
0x233: {  	vm2 =	vmor vm2, vm0  }
0x234: {  	v7, _, _ =	vpop (xrf0)  }
0x235: {  	v7 =	vxor.u32 $0x80000000, v7  }
0x236: {  	v7 =	vsub.s32 v5, v7  }
0x237: {  	v7 =	vcvt.s32.f32 v7;
	_ =	sdelay $0x1  }
0x238: {  	[tilespmem:v6+s6+$0x0] =	vst.idx.add.f32.msk vm2, v7  }
0x239: {  	v6 =	vld [tilespmem:$0x50C0];
	_ =	sdelay $0x4  }
0x23a: {  	v7 =	vperm.xlane v6, v1;
	_ =	sdelay $0x1  }
0x23b: {  	v7 =	vsel vm1, $0xFFFFFFFF, v7  }
0x23c: {  	vm1 =	veq.s32 v7, v6  }
0x23d: {  	v7 =	vsel vm1, $0x80000000, v4  }
0x23e: {  	(xrf0) =	vmax.scan.msk.u32 $0xffff, v7;
	_ =	sdelay $0x1  }
0x23f: {  	v7 =	vperm.xlane v6, v3;
	_ =	sdelay $0x1  }
0x240: {  	vm1 =	vne.s32 v6, v7  }
0x241: {  	vm1 =	vmor vm1, vm0  }
0x242: {  	v7, _, _ =	vpop (xrf0)  }
0x243: {  	v7 =	vxor.u32 $0x80000000, v7  }
0x244: {  	v7 =	vsub.s32 v5, v7  }
0x245: {  	v7 =	vcvt.s32.f32 v7;
	_ =	sdelay $0x1  }
0x246: {  	[tilespmem:v6+s6+$0x0] =	vst.idx.add.f32.msk vm1, v7  }
0x247: {  	[bflag:$0x0] =	sbarrier.arrive $0xFFFF  }
0x248: {  	[tilespmem:s4], [sflag:$0x3] =	stream.linear.gather [spmem:s18], $0x2800, $0x38;
	[tilespmem:$0x1B900] =	vst v63  }
0x249: {  	_ =	swait.ge [sflag:s29], $0x2800  }
0x24a: {  	[sflag:s29] =	ssyncset.done $0x0  }
0x24b: {  	s12 =	rddreg [dreg:$0x5];
	[sflag:s29] =	ssyncadd.s32 $0xFFFFD800  }
0x24c: {  	[hbm4b:s12+s4] =	stream.linear.scatter [tilespmem:s4], [sflag:$0x3], $0x2800, $0x38;
	[tilespmem:$0x1B900] =	vst v63  }
0x24d: {  	_ =	swait.ge [sflag:s29], $0x2800  }
0x24e: {  	[sflag:s29] =	ssyncset.done $0x0  }
0x24f: {  	[sflag:s29] =	ssyncadd.s32 $0xFFFFD800  }
0x250: {  	[tilespmem:s4], [sflag:$0x3] =	stream.linear.gather [spmem:s19], $0x2800, $0x38;
	[tilespmem:$0x1B900] =	vst v63  }
0x251: {  	_ =	swait.ge [sflag:s29], $0x2800  }
0x252: {  	[sflag:s29] =	ssyncset.done $0x0  }
0x253: {  	s13 =	rddreg [dreg:$0x6];
	[sflag:s29] =	ssyncadd.s32 $0xFFFFD800  }
0x254: {  	[hbm4b:s13+s4] =	stream.linear.scatter [tilespmem:s4], [sflag:$0x3], $0x2800, $0x38;
	[tilespmem:$0x1B900] =	vst v63  }
0x255: {  	_ =	swait.ge [sflag:s29], $0x2800  }
0x256: {  	[sflag:s29] =	ssyncset.done $0x0  }
0x257: {  	[sflag:s29] =	ssyncadd.s32 $0xFFFFD800  }
0x258: {  	[tilespmem:s4], [sflag:$0x3] =	stream.linear.gather [spmem:s20], $0x2800, $0x38;
	[tilespmem:$0x1B900] =	vst v63  }
0x259: {  	_ =	swait.ge [sflag:s29], $0x2800  }
0x25a: {  	[sflag:s29] =	ssyncset.done $0x0  }
0x25b: {  	s15 =	rddreg [dreg:$0x7];
	[sflag:s29] =	ssyncadd.s32 $0xFFFFD800  }
0x25c: {  	[hbm4b:s15+s4] =	stream.linear.scatter [tilespmem:s4], [sflag:$0x3], $0x2800, $0x38;
	[tilespmem:$0x1B900] =	vst v63  }
0x25d: {  	_ =	swait.ge [sflag:s29], $0x2800  }
0x25e: {  	[sflag:s29] =	ssyncset.done $0x0  }
0x25f: {  	[sflag:s29] =	ssyncadd.s32 $0xFFFFD800  }
0x260: {  	[tilespmem:s4], [sflag:$0x3] =	stream.linear.gather [spmem:s21], $0x2800, $0x38;
	[tilespmem:$0x1B900] =	vst v63  }
0x261: {  	_ =	swait.ge [sflag:s29], $0x2800  }
0x262: {  	[sflag:s29] =	ssyncset.done $0x0  }
0x263: {  	s16 =	rddreg [dreg:$0x8];
	[sflag:s29] =	ssyncadd.s32 $0xFFFFD800  }
0x264: {  	[hbm4b:s16+s4] =	stream.linear.scatter [tilespmem:s4], [sflag:$0x3], $0x2800, $0x38;
	[tilespmem:$0x1B900] =	vst v63  }
0x265: {  	_ =	swait.ge [sflag:s29], $0x2800  }
0x266: {  	[sflag:s29] =	ssyncset.done $0x0  }
0x267: {  	[sflag:s29] =	ssyncadd.s32 $0xFFFFD800  }
0x268: {  	[tilespmem:s4], [sflag:$0x3] =	stream.linear.gather [spmem:s22], $0x2800, $0x38;
	[tilespmem:$0x1B900] =	vst v63  }
0x269: {  	_ =	swait.ge [sflag:s29], $0x2800  }
0x26a: {  	[sflag:s29] =	ssyncset.done $0x0  }
0x26b: {  	s26 =	rddreg [dreg:$0x9];
	[sflag:s29] =	ssyncadd.s32 $0xFFFFD800  }
0x26c: {  	[hbm4b:s26+s4] =	stream.linear.scatter [tilespmem:s4], [sflag:$0x3], $0x2800, $0x38;
	[tilespmem:$0x1B900] =	vst v63  }
0x26d: {  	_ =	swait.ge [sflag:s29], $0x2800  }
0x26e: {  	[sflag:s29] =	ssyncset.done $0x0  }
0x26f: {  	[sflag:s29] =	ssyncadd.s32 $0xFFFFD800  }
0x270: {  	[tilespmem:s4], [sflag:$0x3] =	stream.linear.gather [spmem:s23], $0x2800, $0x38;
	[tilespmem:$0x1B900] =	vst v63  }
0x271: {  	_ =	swait.ge [sflag:s29], $0x2800  }
0x272: {  	[sflag:s29] =	ssyncset.done $0x0  }
0x273: {  	s11 =	rddreg [dreg:$0xa];
	[sflag:s29] =	ssyncadd.s32 $0xFFFFD800  }
0x274: {  	[hbm4b:s11+s4] =	stream.linear.scatter [tilespmem:s4], [sflag:$0x3], $0x2800, $0x38;
	[tilespmem:$0x1B900] =	vst v63  }
0x275: {  	_ =	swait.ge [sflag:s29], $0x2800  }
0x276: {  	[sflag:s29] =	ssyncset.done $0x0  }
0x277: {  	[sflag:s29] =	ssyncadd.s32 $0xFFFFD800  }
0x278: {  	[tilespmem:s4], [sflag:$0x3] =	stream.linear.gather [spmem:s24], $0x2800, $0x38;
	[tilespmem:$0x1B900] =	vst v63  }
0x279: {  	_ =	swait.ge [sflag:s29], $0x2800  }
0x27a: {  	[sflag:s29] =	ssyncset.done $0x0  }
0x27b: {  	s12 =	rddreg [dreg:$0xb];
	[sflag:s29] =	ssyncadd.s32 $0xFFFFD800  }
0x27c: {  	[hbm4b:s12+s4] =	stream.linear.scatter [tilespmem:s4], [sflag:$0x3], $0x2800, $0x38;
	[tilespmem:$0x1B900] =	vst v63  }
0x27d: {  	_ =	swait.ge [sflag:s29], $0x2800  }
0x27e: {  	[sflag:s29] =	ssyncset.done $0x0  }
0x27f: {  	[sflag:s29] =	ssyncadd.s32 $0xFFFFD800  }
0x280: {  	[tilespmem:s4], [sflag:$0x3] =	stream.linear.gather [spmem:s25], $0x2800, $0x38;
	[tilespmem:$0x1B900] =	vst v63  }
0x281: {  	_ =	swait.ge [sflag:s29], $0x2800  }
0x282: {  	[sflag:s29] =	ssyncset.done $0x0  }
0x283: {  	s8 =	sadd.s32 $0x1, s8;
	s13 =	rddreg [dreg:$0xc];
	[sflag:s29] =	ssyncadd.s32 $0xFFFFD800  }
0x284: {  	[hbm4b:s13+s4] =	stream.linear.scatter [tilespmem:s4], [sflag:$0x3], $0x2800, $0x38;
	[tilespmem:$0x1B900] =	vst v63  }
0x285: {  	p0 =	sne.s32 s8, s17;
	_ =	swait.ge [sflag:s29], $0x2800  }
0x286: {  	s16 =	simm.s32 $0x80;
	s26 =	simm.s32 $0x400;
	[sflag:s29] =	ssyncset.done $0x0  }
.Ltmp3:
0x287: {  	s15 =	rddreg [dreg:$0xf];
	[sflag:s29] =	ssyncadd.s32 $0xFFFFD800;
	(pc) =	sbr.rel @p0 .LBB2_1-.Ltmp3, $4  }
0x288: {  	[hbm4b:s15+s16] =	stream.strided.scatter [tilespmem:s6], [sflag:$0x3], $0x2800, s26, s16, $0x38;
	[tilespmem:$0x1B900] =	vst v63  }
0x289: {  	_ =	swait.ge [sflag:s29], $0x2800  }
0x28a: {  	[sflag:s29] =	ssyncset.done $0x0  }
0x28b: {  	[sflag:s29] =	ssyncadd.s32 $0xFFFFD800  }
0x28c: {  	_ =	sfence.sel $0x180000  }
0x28d: {  	[bflag:$0x0] =	sbarrier.arrive $0xFFFF  }
0x28e: {  	_ =	strace $0x90000047  }
0x28f: {  	s0 =	stileid.u32;
	[bflag:$0x2] =	sbarrier.arrive $0xFFFF  }
0x290: {  	p0 =	sne.s32 s0, $0x0;
	s0 =	rddreg [dreg:$0x4]  }
0x291: {  	s0 =	sadd.s32 @!p0 $0x100000, s0  }
0x292: {  	[sflag:s0] =	ssyncadd.tile.s32 @!p0 $0x1;
	_ =	shalt  }
.Lfunc_end2:
_tile_overlayer_lowered:
.L_overlay_start_2:
0x293: {  	(tag) =	ssettag $0x2  }
0x294: {  	s0 =	rddreg [dreg:$0x0];
	s2 =	stileid.u32  }
0x295: {  	s1 =	rddreg [dreg:$0x1];
	p0 =	sne.s32 s2, $0x0  }
0x296: {  	s3 =	rddreg [dreg:$0x2];
	[bflag:$0x3] =	sbarrier.arrive $0xFFFF;
	s2 =	simm.s32 @!p0 $0x1C03  }
0x297: {  	[timem:s3], [sflag:s2] =	dma.local @!p0 [hbm:s0], s1  }
0x298: {  	s0 =	simm.s32 @!p0 $0x3  }
0x299: {  	_ =	swait.ge @!p0 [sflag:s0], s1  }
0x29a: {  	s1 =	ssub.s32 @!p0 $0x0, s1;
	[sflag:s0] =	ssyncset.done @!p0 $0x0  }
0x29b: {  	[sflag:s0] =	ssyncadd.s32 @!p0 s1  }
0x29c: {  	[bflag:$0x3] =	sbarrier.arrive $0xFFFF  }
0x29d: {  	_ =	shalt  }

// kernel: _impl.9.cloned.1.call-start
scs
__scs_entry_jumppad:
0x0: {  	(pc) =	sbr.rel $0x88, $3  }
0x1: {  	(tag) =	ssettag $0x0;
	lr =	simm.s32 $0x1  }
0x2: {  	[smem:$0x3F9F] =	sst lr;
	_ =	strace $0xD0000000  }
0x3: {  	_ = 	snop  }
0x4: {  	_ = 	snop  }
0x5: {  	_ = 	snop  }
0x6: {  	_ = 	snop  }
0x7: {  	_ = 	snop  }
__scs_overlays_trampoline_lowered:
0x8: {  	[smem:$0x3FAE] =	sst s0  }
0x9: {  	[smem:$0x3FAF] =	sst s1  }
0xa: {  	[smem:$0x3FB0] =	sst s2  }
0xb: {  	[smem:$0x3FB1] =	sst s3  }
0xc: {  	[smem:$0x3FB2] =	sst s4  }
0xd: {  	[smem:$0x3FB3] =	sst s5  }
0xe: {  	[smem:$0x3FB4] =	sst s6  }
0xf: {  	[smem:$0x3FB5] =	sst s7  }
0x10: {  	[smem:$0x3FB6] =	sst s8  }
0x11: {  	[smem:$0x3FB7] =	sst s9;
	s0 =	simm.s32 @!p0 $0x0  }
0x12: {  	s1 =	sld [smem:$0x3F9D];
	s0 =	simm.s32 @p0 $0x1  }
0x13: {  	[smem:$0x3FB8] =	sst s0;
	s0 =	simm.s32 @!p1 $0x0  }
0x14: {  	s2 =	sld [smem:$0x3F9C];
	s0 =	simm.s32 @p1 $0x1  }
0x15: {  	[smem:$0x3FB9] =	sst s0;
	s0 =	simm.s32 @!p2 $0x0  }
0x16: {  	s3 =	sld [smem:$0x3FDB];
	s0 =	simm.s32 @p2 $0x1  }
0x17: {  	s4 =	simm.s32 $0x1BF5;
	[smem:$0x3FBB] =	sst s0  }
0x18: {  	s0 =	sld [smem:$0x3F9E];
	_ =	swait.ge [sflag:s4], $0x0  }
0x19: {  	s7 =	sld [smem:$0x3F9F]  }
0x1a: {  	s8 =	sadd.s32 $0xFFFFE003, lr  }
0x1b: {  	s9 =	sadd.s32 $0xFFFFFEF7, lr;
	s5 =	simm.s32 $0xFFFFFFFF;
	p2 =	slt.u32 s8, $0xFFFFF086  }
0x1c: {  	p1 =	slt.u32 s9, $0xF7A;
	s5 =	simm.s32 @!p2 $0x0  }
0x1d: {  	s5 =	simm.s32 @p1 $0x1;
	p0 =	seq.s32 s7, s2  }
0x1e: {  	s7 =	smul.u32 @!p0 $0xF7A, s2;
	p2 =	seq.s32 @!p0 s5, $0x0  }
0x1f: {  	s9 =	smul.u32 $0xF7A, s1;
	s8 =	simm.s32 @!p0 $0x1BF5;
	p2 =	por !p2, p0  }
0x20: {  	[sflag:s8] =	ssyncset.s32 @!p0 $0xFFFFF086;
	s6 =	sadd.s32 @!p0 s3, s7;
	s7 =	simm.s32 @!p0 $0x108  }
0x21: {  	s3 =	sadd.s32 s3, s9;
	s6 =	sadd.s32 @!p0 $0x88, s6;
	s7 =	simm.s32 @p2 $0x1082  }
0x22: {  	[simem:s7], [sflag:s8] =	dma.local @!p0 [hbm:s6], $0xF7A  }
0x23: {  	s9 =	sor.u32 $0xD0000000, s2;
	s6 =	simm.s32 $0x108;
	_ =	swait.ge @!p0 [sflag:s8], $0x0  }
0x24: {  	s3 =	sadd.s32 $0x88, s3;
	s6 =	simm.s32 @!p1 $0x1082;
	[sflag:s4] =	ssyncset.s32 $0xFFFFF086  }
0x25: {  	[simem:s6], [sflag:s4] =	dma.local [hbm:s3], $0xF7A  }
0x26: {  	[smem:$0x3F9F] =	sst s1;
	(tag) =	ssettag s2;
	_ =	strace s9  }
0x27: {  	s1 =	sld [smem:$0x3FAF]  }
0x28: {  	s2 =	sld [smem:$0x3FB0]  }
0x29: {  	s4 =	sld [smem:$0x3FB2]  }
0x2a: {  	p0 =	seq.s32 s5, $0x0;
	s5 =	sld [smem:$0x3FB3]  }
0x2b: {  	s6 =	sld [smem:$0x3FB4]  }
0x2c: {  	s7 =	sld [smem:$0x3FB5]  }
0x2d: {  	s3 =	simm.s32 $0x108;
	s8 =	sld [smem:$0x3FB6]  }
0x2e: {  	s3 =	simm.s32 @!p0 $0x1082;
	s9 =	sld [smem:$0x3FB7]  }
0x2f: {  	lr =	sadd.s32 s0, s3;
	s0 =	sld [smem:$0x3FAE]  }
0x30: {  	s3 =	sld [smem:$0x3FB1]  }
0x31: {  	[smem:$0x3FBA] =	sst s10  }
0x32: {  	s10 =	sld [smem:$0x3FB8];
	_ =	sdelay $0x3  }
0x33: {  	p0 =	seq.s32 s10, $0x1;
	s10 =	sld [smem:$0x3FBA];
	_ =	sdelay $0x3  }
0x34: {  	[smem:$0x3FBA] =	sst s10  }
0x35: {  	s10 =	sld [smem:$0x3FB9];
	_ =	sdelay $0x3  }
0x36: {  	p1 =	seq.s32 s10, $0x1;
	s10 =	sld [smem:$0x3FBA];
	_ =	sdelay $0x3  }
0x37: {  	[smem:$0x3FBA] =	sst s10  }
0x38: {  	s10 =	sld [smem:$0x3FBB]  }
0x39: {  	_ = 	snop;
	(pc) =	sbr.ind lr, $3  }
0x3a: {  	_ = 	snop  }
0x3b: {  	_ = 	snop  }
0x3c: {  	p2 =	seq.s32 s10, $0x1;
	s10 =	sld [smem:$0x3FBA]  }
0x3d: {  	_ =	shalt  }
0x3e: {  	_ =	shalt  }
0x3f: {  	_ =	shalt  }
0x40: {  	_ =	shalt  }
0x41: {  	_ =	shalt  }
0x42: {  	_ =	shalt  }
0x43: {  	_ =	shalt  }
0x44: {  	_ =	shalt  }
0x45: {  	_ =	shalt  }
0x46: {  	_ =	shalt  }
0x47: {  	_ =	shalt  }
0x48: {  	_ =	shalt  }
0x49: {  	_ =	shalt  }
0x4a: {  	_ =	shalt  }
0x4b: {  	_ =	shalt  }
0x4c: {  	_ =	shalt  }
0x4d: {  	_ =	shalt  }
0x4e: {  	_ =	shalt  }
0x4f: {  	_ =	shalt  }
0x50: {  	_ =	shalt  }
0x51: {  	_ =	shalt  }
0x52: {  	_ =	shalt  }
0x53: {  	_ =	shalt  }
0x54: {  	_ =	shalt  }
0x55: {  	_ =	shalt  }
0x56: {  	_ =	shalt  }
0x57: {  	_ =	shalt  }
0x58: {  	_ =	shalt  }
0x59: {  	_ =	shalt  }
0x5a: {  	_ =	shalt  }
0x5b: {  	_ =	shalt  }
0x5c: {  	_ =	shalt  }
0x5d: {  	_ =	shalt  }
0x5e: {  	_ =	shalt  }
0x5f: {  	_ =	shalt  }
0x60: {  	_ =	shalt  }
0x61: {  	_ =	shalt  }
0x62: {  	_ =	shalt  }
0x63: {  	_ =	shalt  }
0x64: {  	_ =	shalt  }
0x65: {  	_ =	shalt  }
0x66: {  	_ =	shalt  }
0x67: {  	_ =	shalt  }
0x68: {  	_ =	shalt  }
0x69: {  	_ =	shalt  }
0x6a: {  	_ =	shalt  }
0x6b: {  	_ =	shalt  }
0x6c: {  	_ =	shalt  }
0x6d: {  	_ =	shalt  }
0x6e: {  	_ =	shalt  }
0x6f: {  	_ =	shalt  }
0x70: {  	_ =	shalt  }
0x71: {  	_ =	shalt  }
0x72: {  	_ =	shalt  }
0x73: {  	_ =	shalt  }
0x74: {  	_ =	shalt  }
0x75: {  	_ =	shalt  }
0x76: {  	_ =	shalt  }
0x77: {  	_ =	shalt  }
0x78: {  	_ =	shalt  }
0x79: {  	_ =	shalt  }
0x7a: {  	_ =	shalt  }
0x7b: {  	_ =	shalt  }
0x7c: {  	_ =	shalt  }
0x7d: {  	_ =	shalt  }
0x7e: {  	_ =	shalt  }
0x7f: {  	_ =	shalt  }
0x80: {  	_ =	shalt  }
0x81: {  	_ =	shalt  }
0x82: {  	_ =	shalt  }
0x83: {  	_ =	shalt  }
0x84: {  	_ =	shalt  }
0x85: {  	_ =	shalt  }
0x86: {  	_ =	shalt  }
0x87: {  	_ =	shalt  }
.Lfunc_end0:
.L_simem_size_0:
called_computation.1_lowered:
.L_overlay_start_0:
0x88: {  	s2 =	sld [smem:$0x3FD9]  }
0x89: {  	s3 =	sld [smem:$0x3FFE];
	_ =	sdelay $0x1  }
0x8a: {  	s1 =	srdreg.scid  }
0x8b: {  	s0 =	sand.u32 $0x1, s1  }
0x8c: {  	s17 =	sshll.u32 s0, $0xA;
	s2 =	sadd.s32 s3, s2  }
0x8d: {  	s2 =	sadd.s32 s2, s17  }
0x8e: {  	[smem:$0x3FC6] =	sst s2  }
0x8f: {  	_ = 	snop  }
0x90: {  	s18 =	sld [smem:$0x3FC8]  }
0x91: {  	s4 =	sld [smem:$0x3FD0];
	(tm) =	ssettm $0x1  }
0x92: {  	s19 =	sld [smem:$0x3FFB];
	_ =	sdelay $0x3  }
0x93: {  	_ =	strace s19  }
0x94: {  	s2 =	sld [smem:$0x3FFC];
	_ =	sdelay $0x3  }
0x95: {  	_ =	strace s2  }
0x96: {  	s2 =	sld [smem:$0x3FFD];
	_ =	sdelay $0x3  }
0x97: {  	_ =	strace s2  }
0x98: {  	_ =	strace $0x8FFFFFFF  }
0x99: {  	s20 =	sld [smem:$0x3FDB];
	_ =	sdelay $0x1  }
0x9a: {  	s5 =	simm.s32 $_scs_section_size  }
0x9b: {  	s6 =	simm.s32 $_size__tile_overlayer_lowered;
	s7 =	simm.s32 $_tile_overlayer_lowered  }
0x9c: {  	s8 =	simm.s32 $0x1BFF;
	s21 =	sshll.u32 s7, $0x1;
	s5 =	sadd.s32 s5, s20  }
0x9d: {  	s22 =	simm.s32 $0x0;
	s6 =	sshll.u32 s6, $0x1;
	s7 =	sadd.s32 s21, s5  }
0x9e: {  	[timem:s22], [sflag:s8] =	dma.local [hbm:s7], s6  }
0x9f: {  	_ =	swait.ge [sflag:s8], s6  }
0xa0: {  	s6 =	ssub.s32 $0x0, s6;
	[sflag:s8] =	ssyncset.done $0x0  }
0xa1: {  	[sflag:s8] =	ssyncadd.s32 s6;
	_ =	sdelay $0x1  }
0xa2: {  	s23 =	simm.s32 $0x1B8B  }
0xa3: {  	_ =	swait.ge [sflag:s23], $0x1  }
0xa4: {  	[sflag:s23] =	ssyncset.done $0x0  }
0xa5: {  	[sflag:s23] =	ssyncadd.s32 $0xFFFFFFFF  }
0xa6: {  	s6 =	sld [smem:$0x0]  }
0xa7: {  	s7 =	sand.u32 $0xFFFFFFFE, s1  }
0xa8: {  	p0 =	sne.s32 s1, s7  }
0xa9: {  	s7 =	sshll.u32 @p0 s7, $0xE  }
0xaa: {  	s7 =	sadd.s32 @p0 $0x11B8D, s7;
	s8 =	sshll.u32 @p0 s6, $0x11  }
0xab: {  	s7 =	sor.u32 @p0 s8, s7  }
0xac: {  	[sflag:s7] =	ssyncadd.remote.s32 @p0 $0x1;
	_ =	sdelay $0x1  }
0xad: {  	s7 =	simm.s32 @p0 $0x1B8D  }
0xae: {  	_ =	swait.eq @p0 [sflag:s7], $0x1  }
0xaf: {  	[sflag:s7] =	ssyncadd.s32 @p0 $0xFFFFFFFF  }
0xb0: {  	s8 =	sshll.u32 @!p0 s1, $0xE  }
0xb1: {  	s8 =	sor.u32 @!p0 $0x4000, s8;
	s7 =	simm.s32 @!p0 $0x1B8D  }
0xb2: {  	s6 =	sshll.u32 @!p0 s6, $0x11;
	s8 =	sadd.s32 @!p0 $0x11B8D, s8;
	_ =	swait.eq @!p0 [sflag:s7], $0x1  }
0xb3: {  	s6 =	sor.u32 @!p0 s6, s8;
	[sflag:s7] =	ssyncadd.s32 @!p0 $0xFFFFFFFF  }
0xb4: {  	s25 =	simm.s32 $0x1B8E;
	s24 =	sld [smem:$0x3FFE];
	[sflag:s6] =	ssyncadd.remote.s32 @!p0 $0x1  }
0xb5: {  	s26 =	simm.s32 $execute0_lowered;
	[smem:$0x3FD2] =	sst s25  }
0xb6: {  	s7 =	sshll.u32 s26, $0x1;
	_ =	strace $0x80000049;
	[dreg:$0x1] =	wrdreg $0xFFFFFFFF  }
0xb7: {  	s28 =	simm.s32 $_size_execute0_lowered;
	s5 =	sadd.s32 s5, s7;
	[dreg:$0x0] =	wrdreg $0x0  }
0xb8: {  	s7 =	sshll.u32 s28, $0x1;
	[dreg:$0x2] =	wrdreg s5  }
0xb9: {  	[dreg:$0x3] =	wrdreg s7  }
0xba: {  	[dreg:$0x4] =	wrdreg $0xC0  }
0xbb: {  	_ =	task [dreg:s22], $0x5FFFF  }
0xbc: {  	[dreg:$0x1] =	wrdreg $0xFFFFFFFF  }
0xbd: {  	[dreg:$0x0] =	wrdreg $0x60  }
0xbe: {  	[dreg:$0x2] =	wrdreg s24  }
0xbf: {  	[dreg:$0x3] =	wrdreg s18  }
0xc0: {  	[dreg:$0x4] =	wrdreg s4  }
0xc1: {  	[dreg:$0x5] =	wrdreg $0x51000  }
0xc2: {  	[dreg:$0x6] =	wrdreg $0xA  }
0xc3: {  	_ =	task.clear_ibuf [dreg:s22], $0x7FFFF;
	_ =	strace $0x90000049  }
0xc4: {  	s29 =	simm.s32 $0xA;
	_ =	strace $0x8000004B  }
0xc5: {  	_ =	swait.ge [sflag:s29], $0x1  }
0xc6: {  	[sflag:s29] =	ssyncadd.s32 $0xFFFFFFFF  }
0xc7: {  	_ =	strace $0x9000004B  }
0xc8: {  	_ =	sfence  }
0xc9: {  	s30 =	sld [smem:$0x0];
	_ =	sdelay $0x2  }
0xca: {  	s31 =	sshll.u32 s1, $0xD;
	s1 =	sshrl.u32 s1, $0x2  }
0xcb: {  	s4 =	sand.u32 $0x4000, s31;
	s1 =	sadd.s32 s1, s30  }
0xcc: {  	s0 =	sor.u32 s4, s0;
	s1 =	sshll.u32 s1, $0x11  }
0xcd: {  	s0 =	sor.u32 s1, s0  }
0xce: {  	s0 =	sadd.s32 $0x8F2B, s0  }
0xcf: {  	[sflag:s0] =	ssyncadd.remote.s32 $0x1  }
0xd0: {  	_ =	sfence.sel $0xFFFF  }
0xd1: {  	[dreg:$0x0] =	wrdreg $0xFFFFFFFF;
	(pc) =	sbr.abs _section_cstart, $3  }
0xd2: {  	[dreg:$0x1] =	wrdreg $0xFFFFFFFF  }
0xd3: {  	_ =	task.clear_ibuf [dreg:s22], $0x2FFFF;
	_ =	strace $0x9FFFFFFF  }
0xd4: {  	(tm) =	ssettm $0x7FFFFFFF  }
0xd5: {  	_ =	shalt  }
tec
execute0_lowered:
.L_overlay_start_1:
0x0: {  	(tag) =	ssettag $0x1  }
0x1: {  	s1 =	rddreg [dreg:$0x0]  }
0x2: {  	s0 =	rddreg [dreg:$0x1]  }
0x3: {  	s4 =	rddreg [dreg:$0x2]  }
0x4: {  	s3 =	srdreg.scid;
	s2 =	rddreg [dreg:$0x3]  }
0x5: {  	s25 =	stileid.u32;
	s30 =	simm.s32 $0x3;
	s31 =	simm.s32 $0x5000  }
0x6: {  	s5 =	sand.u32 $0x1, s3;
	s3 =	simm.s32 $0x0;
	s7 =	smul.u32 $0x2710, s25  }
0x7: {  	s8 =	sadd.s32 $0x5BA00, s1;
	s9 =	sadd.s32 $0x53DA00, s1;
	s13 =	smul.u32 $0x280, s25  }
0x8: {  	s6 =	smul.u32 $0x27100, s5;
	[smem:$0x7FF] =	sst s3;
	s10 =	ssub.s32 $0x2, s5  }
0x9: {  	p0 =	seq.s32 s5, $0x1;
	s5 =	smul.u32 $0x271000, s5;
	s11 =	sshrl.u32 s10, $0x1  }
0xa: {  	s12 =	sadd.s32 $0xA0, s13;
	s20 =	sadd.s32 $0xF0, s13;
	s21 =	sadd.s32 $0x140, s13  }
0xb: {  	s22 =	sadd.s32 $0x190, s13;
	s23 =	sadd.s32 $0x1E0, s13;
	s4 =	smov.u32 @p0 s9  }
0xc: {  	s1 =	sadd.s32 s7, s6;
	s7 =	ssub.s32 s10, s11;
	s11 =	sor.u32 $0x50, s13  }
0xd: {  	s6 =	sadd.s32 $0x230, s13;
	s13 =	smul.u32 $0x2800, s25;
	s15 =	sshll.u32 s12, $0x4  }
0xe: {  	s16 =	sshll.u32 s20, $0x4;
	s17 =	sshll.u32 s21, $0x4;
	s18 =	sshll.u32 s22, $0x4  }
0xf: {  	s9 =	sshll.u32 s23, $0x4;
	s5 =	sadd.s32 s5, s8;
	s10 =	sshll.u32 s1, $0x4  }
0x10: {  	s24 =	sadd.s32 $0x2710, s1;
	s14 =	sshll.u32 s11, $0x4;
	s15 =	sadd.s32 s4, s15  }
0x11: {  	s19 =	sshll.u32 s6, $0x4;
	s26 =	sadd.s32 s4, s16;
	[dreg:$0x7] =	wrdreg s15  }
0x12: {  	s28 =	sadd.s32 s4, s17;
	s9 =	sadd.s32 s4, s9;
	[dreg:$0x8] =	wrdreg s26  }
0x13: {  	s17 =	smul.u32 $0x27100, s25;
	s13 =	sadd.s32 s4, s13;
	[dreg:$0x9] =	wrdreg s28  }
0x14: {  	s14 =	sadd.s32 s4, s14;
	[dreg:$0xb] =	wrdreg s9;
	s15 =	sshll.u32 s24, $0x4  }
0x15: {  	s16 =	sadd.s32 s8, s10;
	s26 =	sshll.u32 s11, $0x7;
	s28 =	sshll.u32 s12, $0x7  }
0x16: {  	s9 =	sshll.u32 s21, $0x7;
	s10 =	sshll.u32 s22, $0x7;
	s11 =	sshll.u32 s23, $0x7  }
0x17: {  	s12 =	sshll.u32 s6, $0x7;
	s6 =	simm.s32 $0x2;
	[dreg:$0x5] =	wrdreg s13  }
0x18: {  	[dreg:$0x6] =	wrdreg s14;
	s14 =	sadd.s32 s4, s18;
	s4 =	sadd.s32 s4, s19  }
0x19: {  	[dreg:$0xd] =	wrdreg s16;
	s18 =	smul.u32 $0x50000, s25;
	s19 =	sshrl.u32 s1, $0x3  }
0x1a: {  	s16 =	smax.u32 s7, $0x1;
	s21 =	sadd.s32 s9, s2;
	s22 =	sadd.s32 s10, s2  }
0x1b: {  	s23 =	sadd.s32 s11, s2;
	s13 =	sshrl.u32 s24, $0x3;
	s24 =	sadd.s32 s12, s2  }
0x1c: {  	s9 =	sadd.s32 $0xA0, s1;
	s12 =	simm.s32 $0x2800;
	[dreg:$0xa] =	wrdreg s14  }
0x1d: {  	s7 =	simm.s32 $0x0;
	[dreg:$0xc] =	wrdreg s4;
	s4 =	sadd.s32 s8, s15  }
0x1e: {  	s15 =	sadd.s32 s0, s19;
	s19 =	sadd.s32 s28, s2;
	s8 =	sshll.u32 s20, $0x7  }
0x1f: {  	s14 =	sadd.s32 $0x50, s1;
	s1 =	simm.s32 $0x5080;
	[dreg:$0xe] =	wrdreg s4  }
0x20: {  	s4 =	sadd.s32 s17, s5;
	s25 =	sshrl.u32 s18, $0x2;
	s18 =	sadd.s32 s26, s2  }
0x21: {  	s20 =	sadd.s32 s8, s2;
	s28 =	sshrl.u32 s14, $0x3;
	s5 =	simm.s32 $0x50  }
0x22: {  	_ =	strace $0x8000004A;
	s17 =	sadd.s32 s25, s2;
	s25 =	sadd.s32 s0, s13  }
0x23: {  	v0 =	vimm.f32 $0.0e+00;
	s26 =	sadd.s32 $0xA00, s4;
	s29 =	sadd.s32 s28, s0;
	s4 =	simm.s32 $0x1  }
.LBB2_1:
0x24: {  	s8 =	simm.s32 $0x0;
	s10 =	simm.s32 $0x200  }
.LBB2_2:
0x25: {  	p0 =	sne.s32 s10, $0x9E00;
	[tilespmem:s8+$0x70] =	vst v0  }
0x26: {  	[tilespmem:s8+$0x0] =	vst v0  }
0x27: {  	[tilespmem:s8+$0x10] =	vst v0  }
.Ltmp0:
0x28: {  	[tilespmem:s8+$0x20] =	vst v0;
	(pc) =	sbr.rel @p0 .LBB2_2-.Ltmp0, $4  }
0x29: {  	[tilespmem:s8+$0x30] =	vst v0  }
0x2a: {  	[tilespmem:s8+$0x40] =	vst v0  }
0x2b: {  	[tilespmem:s8+$0x50] =	vst v0  }
0x2c: {  	[tilespmem:s8+$0x60] =	vst v0;
	s8 =	sshra.s32 s10, $0x2;
	s10 =	sadd.s32 $0x200, s10  }
0x2d: {  	[tilespmem:s8+$0x70] =	vst v0  }
0x2e: {  	[tilespmem:s8+$0x0] =	vst v0  }
0x2f: {  	[tilespmem:s8+$0x10] =	vst v0  }
0x30: {  	[tilespmem:s8+$0x20] =	vst v0  }
0x31: {  	[tilespmem:s8+$0x30] =	vst v0  }
0x32: {  	[tilespmem:s8+$0x40] =	vst v0  }
0x33: {  	[tilespmem:s8+$0x50] =	vst v0  }
0x34: {  	[tilespmem:s8+$0x60] =	vst v0;
	s14 =	simm.s32 $0x0  }
0x35: {  	[spmem:s17] =	stream.linear.scatter [tilespmem:s14], [sflag:$0x3], $0x2800, $0x38;
	[tilespmem:$0x19100] =	vst v63  }
0x36: {  	_ =	swait.ge [sflag:s30], $0x2800  }
0x37: {  	[sflag:s30] =	ssyncset.done $0x0  }
0x38: {  	[sflag:s30] =	ssyncadd.s32 $0xFFFFD800  }
0x39: {  	[spmem:s18] =	stream.linear.scatter [tilespmem:s14], [sflag:$0x3], $0x2800, $0x38;
	[tilespmem:$0x19100] =	vst v63  }
0x3a: {  	_ =	swait.ge [sflag:s30], $0x2800  }
0x3b: {  	[sflag:s30] =	ssyncset.done $0x0  }
0x3c: {  	[sflag:s30] =	ssyncadd.s32 $0xFFFFD800  }
0x3d: {  	[spmem:s19] =	stream.linear.scatter [tilespmem:s14], [sflag:$0x3], $0x2800, $0x38;
	[tilespmem:$0x19100] =	vst v63  }
0x3e: {  	_ =	swait.ge [sflag:s30], $0x2800  }
0x3f: {  	[sflag:s30] =	ssyncset.done $0x0  }
0x40: {  	[sflag:s30] =	ssyncadd.s32 $0xFFFFD800  }
0x41: {  	[spmem:s20] =	stream.linear.scatter [tilespmem:s14], [sflag:$0x3], $0x2800, $0x38;
	[tilespmem:$0x19100] =	vst v63  }
0x42: {  	_ =	swait.ge [sflag:s30], $0x2800  }
0x43: {  	[sflag:s30] =	ssyncset.done $0x0  }
0x44: {  	[sflag:s30] =	ssyncadd.s32 $0xFFFFD800  }
0x45: {  	[spmem:s21] =	stream.linear.scatter [tilespmem:s14], [sflag:$0x3], $0x2800, $0x38;
	[tilespmem:$0x19100] =	vst v63  }
0x46: {  	_ =	swait.ge [sflag:s30], $0x2800  }
0x47: {  	[sflag:s30] =	ssyncset.done $0x0  }
0x48: {  	[sflag:s30] =	ssyncadd.s32 $0xFFFFD800  }
0x49: {  	[spmem:s22] =	stream.linear.scatter [tilespmem:s14], [sflag:$0x3], $0x2800, $0x38;
	[tilespmem:$0x19100] =	vst v63  }
0x4a: {  	_ =	swait.ge [sflag:s30], $0x2800  }
0x4b: {  	[sflag:s30] =	ssyncset.done $0x0  }
0x4c: {  	[sflag:s30] =	ssyncadd.s32 $0xFFFFD800  }
0x4d: {  	[spmem:s23] =	stream.linear.scatter [tilespmem:s14], [sflag:$0x3], $0x2800, $0x38;
	[tilespmem:$0x19100] =	vst v63  }
0x4e: {  	_ =	swait.ge [sflag:s30], $0x2800  }
0x4f: {  	[sflag:s30] =	ssyncset.done $0x0  }
0x50: {  	[sflag:s30] =	ssyncadd.s32 $0xFFFFD800  }
0x51: {  	[spmem:s24] =	stream.linear.scatter [tilespmem:s14], [sflag:$0x3], $0x2800, $0x38;
	[tilespmem:$0x19100] =	vst v63  }
0x52: {  	_ =	swait.ge [sflag:s30], $0x2800  }
0x53: {  	[sflag:s30] =	ssyncset.done $0x0  }
0x54: {  	[sflag:s30] =	ssyncadd.s32 $0xFFFFD800  }
0x55: {  	[bflag:$0x0] =	sbarrier.arrive $0xFFFF  }
0x56: {  	s10 =	rddreg [dreg:$0xd]  }
0x57: {  	[tilespmem:s14], [sflag:$0x1] =	stream.linear.gather [hbm4b:s10+s14], $0x2800, $0x38;
	[tilespmem:$0x19100] =	vst v63  }
0x58: {  	_ = 	snop  }
0x59: {  	[tilespmem:s31], [sflag:$0x1] =	stream.linear.gather [hbm4b:s15+s14], $0x50, $0x38;
	[tilespmem:$0x19100] =	vst v63  }
0x5a: {  	s11 =	sadd.s32 $0xFFFFFB00, s26  }
0x5b: {  	[tilespmem:s12], [sflag:$0x2] =	stream.linear.gather [hbm4b:s11+s3], $0x2800, $0x38;
	[tilespmem:$0x19100] =	vst v63  }
0x5c: {  	s13 =	sadd.s32 $0x0, s29  }
0x5d: {  	[tilespmem:s1], [sflag:$0x2] =	stream.linear.gather [hbm4b:s13+s3], $0x50, $0x38;
	[tilespmem:$0x19100] =	vst v63  }
0x5e: {  	_ =	swait.ge [sflag:s4], $0x2800  }
0x5f: {  	[sflag:s4] =	ssyncset.done $0x0  }
0x60: {  	[sflag:s4] =	ssyncadd.s32 $0xFFFFD800  }
0x61: {  	_ =	swait.ge [sflag:s4], $0x50  }
0x62: {  	[sflag:s4] =	ssyncset.done $0x0  }
0x63: {  	[sflag:s4] =	ssyncadd.s32 $0xFFFFFFB0  }
0x64: {  	[spmem:s2] =	stream.indirect.scatter.add.f32 [tilespmem:s3], [sflag:$0x3], $0x80, s31, s5, $0xb8;
	[tilespmem:$0x19100] =	vst v63  }
0x65: {  	_ =	swait.ge [sflag:s30], $0x2800  }
0x66: {  	[sflag:s30] =	ssyncset.done $0x0  }
0x67: {  	s14 =	sshrl.u32 s9, $0x3;
	[sflag:s30] =	ssyncadd.s32 $0xFFFFD800  }
0x68: {  	[tilespmem:s3], [sflag:$0x1] =	stream.linear.gather [hbm4b:s26+s3], $0x2800, $0x38;
	[tilespmem:$0x19100] =	vst v63  }
0x69: {  	s8 =	sadd.s32 s0, s14  }
0x6a: {  	[tilespmem:s31], [sflag:$0x1] =	stream.linear.gather [hbm4b:s8+s3], $0x50, $0x38;
	[tilespmem:$0x19100] =	vst v63  }
0x6b: {  	_ =	swait.ge [sflag:s6], $0x2800  }
0x6c: {  	[sflag:s6] =	ssyncset.done $0x0  }
0x6d: {  	[sflag:s6] =	ssyncadd.s32 $0xFFFFD800  }
0x6e: {  	_ =	swait.ge [sflag:s6], $0x50  }
0x6f: {  	[sflag:s6] =	ssyncset.done $0x0  }
0x70: {  	[sflag:s6] =	ssyncadd.s32 $0xFFFFFFB0  }
0x71: {  	[spmem:s2] =	stream.indirect.scatter.add.f32 [tilespmem:s12], [sflag:$0x3], $0x80, s1, s5, $0xb8;
	[tilespmem:$0x19100] =	vst v63  }
0x72: {  	s28 =	smov.u32 s9;
	s10 =	simm.s32 $0x14;
	_ =	swait.ge [sflag:s30], $0x2800  }
0x73: {  	s11 =	simm.s32 $0x28;
	s8 =	sadd.s32 $0xA00, s26;
	[sflag:s30] =	ssyncset.done $0x0  }
.LBB2_4:
0x74: {  	s13 =	sadd.s32 $0xFFFFFB00, s8  }
0x75: {  	[sflag:s30] =	ssyncadd.s32 $0xFFFFD800;
	s28 =	sadd.s32 $0xA0, s28;
	s14 =	smov.u32 s11  }
0x76: {  	[tilespmem:s12], [sflag:$0x2] =	stream.linear.gather [hbm4b:s13+s3], $0x2800, $0x38;
	[tilespmem:$0x19100] =	vst v63  }
0x77: {  	p0 =	sne.s32 s11, $0x4C4;
	s11 =	sadd.s32 $0x14, s11;
	s10 =	sadd.s32 s10, s29  }
0x78: {  	[tilespmem:s1], [sflag:$0x2] =	stream.linear.gather [hbm4b:s10+s3], $0x50, $0x38;
	[tilespmem:$0x19100] =	vst v63  }
0x79: {  	s10 =	smov.u32 s14;
	_ =	swait.ge [sflag:s4], $0x2800  }
0x7a: {  	[sflag:s4] =	ssyncset.done $0x0  }
0x7b: {  	[sflag:s4] =	ssyncadd.s32 $0xFFFFD800  }
0x7c: {  	_ =	swait.ge [sflag:s4], $0x50  }
0x7d: {  	[sflag:s4] =	ssyncset.done $0x0  }
0x7e: {  	[sflag:s4] =	ssyncadd.s32 $0xFFFFFFB0  }
0x7f: {  	[spmem:s2] =	stream.indirect.scatter.add.f32 [tilespmem:s3], [sflag:$0x3], $0x80, s31, s5, $0xb8;
	[tilespmem:$0x19100] =	vst v63  }
0x80: {  	_ =	swait.ge [sflag:s30], $0x2800  }
0x81: {  	[sflag:s30] =	ssyncset.done $0x0  }
0x82: {  	s13 =	sshrl.u32 s28, $0x3;
	[sflag:s30] =	ssyncadd.s32 $0xFFFFD800  }
0x83: {  	[tilespmem:s3], [sflag:$0x1] =	stream.linear.gather [hbm4b:s8+s3], $0x2800, $0x38;
	[tilespmem:$0x19100] =	vst v63  }
0x84: {  	s13 =	sadd.s32 s0, s13  }
0x85: {  	[tilespmem:s31], [sflag:$0x1] =	stream.linear.gather [hbm4b:s13+s3], $0x50, $0x38;
	[tilespmem:$0x19100] =	vst v63  }
0x86: {  	_ =	swait.ge [sflag:s6], $0x2800  }
0x87: {  	[sflag:s6] =	ssyncset.done $0x0  }
0x88: {  	[sflag:s6] =	ssyncadd.s32 $0xFFFFD800  }
0x89: {  	_ =	swait.ge [sflag:s6], $0x50  }
.Ltmp1:
0x8a: {  	[sflag:s6] =	ssyncset.done $0x0;
	(pc) =	sbr.rel @p0 .LBB2_4-.Ltmp1, $4  }
0x8b: {  	[sflag:s6] =	ssyncadd.s32 $0xFFFFFFB0  }
0x8c: {  	[spmem:s2] =	stream.indirect.scatter.add.f32 [tilespmem:s12], [sflag:$0x3], $0x80, s1, s5, $0xb8;
	[tilespmem:$0x19100] =	vst v63  }
0x8d: {  	_ =	swait.ge [sflag:s30], $0x2800  }
0x8e: {  	s8 =	sadd.s32 $0xA00, s8;
	[sflag:s30] =	ssyncset.done $0x0  }
0x8f: {  	s11 =	sadd.s32 $0xFFFFFB00, s8;
	[sflag:s30] =	ssyncadd.s32 $0xFFFFD800  }
0x90: {  	[tilespmem:s12], [sflag:$0x2] =	stream.linear.gather [hbm4b:s11+s3], $0x2800, $0x38;
	[tilespmem:$0x19100] =	vst v63  }
0x91: {  	s10 =	sadd.s32 s10, s29  }
0x92: {  	[tilespmem:s1], [sflag:$0x2] =	stream.linear.gather [hbm4b:s10+s3], $0x50, $0x38;
	[tilespmem:$0x19100] =	vst v63  }
0x93: {  	_ =	swait.ge [sflag:s4], $0x2800  }
0x94: {  	[sflag:s4] =	ssyncset.done $0x0  }
0x95: {  	[sflag:s4] =	ssyncadd.s32 $0xFFFFD800  }
0x96: {  	_ =	swait.ge [sflag:s4], $0x50  }
0x97: {  	[sflag:s4] =	ssyncset.done $0x0  }
0x98: {  	[sflag:s4] =	ssyncadd.s32 $0xFFFFFFB0  }
0x99: {  	[spmem:s2] =	stream.indirect.scatter.add.f32 [tilespmem:s3], [sflag:$0x3], $0x80, s31, s5, $0xb8;
	[tilespmem:$0x19100] =	vst v63  }
0x9a: {  	_ =	swait.ge [sflag:s30], $0x2800  }
0x9b: {  	[sflag:s30] =	ssyncset.done $0x0  }
0x9c: {  	s10 =	sadd.s32 $0xA0, s28;
	[sflag:s30] =	ssyncadd.s32 $0xFFFFD800  }
0x9d: {  	[tilespmem:s3], [sflag:$0x1] =	stream.linear.gather [hbm4b:s8+s3], $0x2800, $0x38;
	[tilespmem:$0x19100] =	vst v63  }
0x9e: {  	s8 =	sshrl.u32 s10, $0x3  }
0x9f: {  	s8 =	sadd.s32 s0, s8  }
0xa0: {  	[tilespmem:s31], [sflag:$0x1] =	stream.linear.gather [hbm4b:s8+s3], $0x50, $0x38;
	[tilespmem:$0x19100] =	vst v63  }
0xa1: {  	_ =	swait.ge [sflag:s6], $0x2800  }
0xa2: {  	[sflag:s6] =	ssyncset.done $0x0  }
0xa3: {  	[sflag:s6] =	ssyncadd.s32 $0xFFFFD800  }
0xa4: {  	_ =	swait.ge [sflag:s6], $0x50  }
0xa5: {  	[sflag:s6] =	ssyncset.done $0x0  }
0xa6: {  	[sflag:s6] =	ssyncadd.s32 $0xFFFFFFB0  }
0xa7: {  	[spmem:s2] =	stream.indirect.scatter.add.f32 [tilespmem:s12], [sflag:$0x3], $0x80, s1, s5, $0xb8;
	[tilespmem:$0x19100] =	vst v63  }
0xa8: {  	_ =	swait.ge [sflag:s30], $0x2800  }
0xa9: {  	[sflag:s30] =	ssyncset.done $0x0  }
0xaa: {  	s11 =	rddreg [dreg:$0xe];
	[sflag:s30] =	ssyncadd.s32 $0xFFFFD800  }
0xab: {  	[tilespmem:s12], [sflag:$0x2] =	stream.linear.gather [hbm4b:s11+s3], $0x2800, $0x38;
	[tilespmem:$0x19100] =	vst v63  }
0xac: {  	_ = 	snop  }
0xad: {  	[tilespmem:s1], [sflag:$0x2] =	stream.linear.gather [hbm4b:s25+s3], $0x50, $0x38;
	[tilespmem:$0x19100] =	vst v63  }
0xae: {  	_ =	swait.ge [sflag:s4], $0x2800  }
0xaf: {  	[sflag:s4] =	ssyncset.done $0x0  }
0xb0: {  	[sflag:s4] =	ssyncadd.s32 $0xFFFFD800  }
0xb1: {  	_ =	swait.ge [sflag:s4], $0x50  }
0xb2: {  	[sflag:s4] =	ssyncset.done $0x0  }
0xb3: {  	[sflag:s4] =	ssyncadd.s32 $0xFFFFFFB0  }
0xb4: {  	[spmem:s2] =	stream.indirect.scatter.add.f32 [tilespmem:s3], [sflag:$0x3], $0x80, s31, s5, $0xb8;
	[tilespmem:$0x19100] =	vst v63  }
0xb5: {  	_ =	swait.ge [sflag:s30], $0x2800  }
0xb6: {  	[sflag:s30] =	ssyncset.done $0x0  }
0xb7: {  	[sflag:s30] =	ssyncadd.s32 $0xFFFFD800  }
0xb8: {  	_ =	swait.ge [sflag:s6], $0x2800  }
0xb9: {  	[sflag:s6] =	ssyncset.done $0x0  }
0xba: {  	[sflag:s6] =	ssyncadd.s32 $0xFFFFD800  }
0xbb: {  	_ =	swait.ge [sflag:s6], $0x50  }
0xbc: {  	[sflag:s6] =	ssyncset.done $0x0  }
0xbd: {  	[sflag:s6] =	ssyncadd.s32 $0xFFFFFFB0  }
0xbe: {  	[spmem:s2] =	stream.indirect.scatter.add.f32 [tilespmem:s12], [sflag:$0x3], $0x80, s1, s5, $0xb8;
	[tilespmem:$0x19100] =	vst v63  }
0xbf: {  	_ =	swait.ge [sflag:s30], $0x2800  }
0xc0: {  	[sflag:s30] =	ssyncset.done $0x0  }
0xc1: {  	[sflag:s30] =	ssyncadd.s32 $0xFFFFD800  }
0xc2: {  	[bflag:$0x0] =	sbarrier.arrive $0xFFFF  }
0xc3: {  	[tilespmem:s3], [sflag:$0x3] =	stream.linear.gather [spmem:s17], $0x2800, $0x38;
	[tilespmem:$0x19100] =	vst v63  }
0xc4: {  	_ =	swait.ge [sflag:s30], $0x2800  }
0xc5: {  	[sflag:s30] =	ssyncset.done $0x0  }
0xc6: {  	s13 =	rddreg [dreg:$0x5];
	[sflag:s30] =	ssyncadd.s32 $0xFFFFD800  }
0xc7: {  	[hbm4b:s13+s3] =	stream.linear.scatter [tilespmem:s3], [sflag:$0x3], $0x2800, $0x38;
	[tilespmem:$0x19100] =	vst v63  }
0xc8: {  	_ =	swait.ge [sflag:s30], $0x2800  }
0xc9: {  	[sflag:s30] =	ssyncset.done $0x0  }
0xca: {  	[sflag:s30] =	ssyncadd.s32 $0xFFFFD800  }
0xcb: {  	[tilespmem:s3], [sflag:$0x3] =	stream.linear.gather [spmem:s18], $0x2800, $0x38;
	[tilespmem:$0x19100] =	vst v63  }
0xcc: {  	_ =	swait.ge [sflag:s30], $0x2800  }
0xcd: {  	[sflag:s30] =	ssyncset.done $0x0  }
0xce: {  	s14 =	rddreg [dreg:$0x6];
	[sflag:s30] =	ssyncadd.s32 $0xFFFFD800  }
0xcf: {  	[hbm4b:s14+s3] =	stream.linear.scatter [tilespmem:s3], [sflag:$0x3], $0x2800, $0x38;
	[tilespmem:$0x19100] =	vst v63  }
0xd0: {  	_ =	swait.ge [sflag:s30], $0x2800  }
0xd1: {  	[sflag:s30] =	ssyncset.done $0x0  }
0xd2: {  	[sflag:s30] =	ssyncadd.s32 $0xFFFFD800  }
0xd3: {  	[tilespmem:s3], [sflag:$0x3] =	stream.linear.gather [spmem:s19], $0x2800, $0x38;
	[tilespmem:$0x19100] =	vst v63  }
0xd4: {  	_ =	swait.ge [sflag:s30], $0x2800  }
0xd5: {  	[sflag:s30] =	ssyncset.done $0x0  }
0xd6: {  	s28 =	rddreg [dreg:$0x7];
	[sflag:s30] =	ssyncadd.s32 $0xFFFFD800  }
0xd7: {  	[hbm4b:s28+s3] =	stream.linear.scatter [tilespmem:s3], [sflag:$0x3], $0x2800, $0x38;
	[tilespmem:$0x19100] =	vst v63  }
0xd8: {  	_ =	swait.ge [sflag:s30], $0x2800  }
0xd9: {  	[sflag:s30] =	ssyncset.done $0x0  }
0xda: {  	[sflag:s30] =	ssyncadd.s32 $0xFFFFD800  }
0xdb: {  	[tilespmem:s3], [sflag:$0x3] =	stream.linear.gather [spmem:s20], $0x2800, $0x38;
	[tilespmem:$0x19100] =	vst v63  }
0xdc: {  	_ =	swait.ge [sflag:s30], $0x2800  }
0xdd: {  	[sflag:s30] =	ssyncset.done $0x0  }
0xde: {  	s10 =	rddreg [dreg:$0x8];
	[sflag:s30] =	ssyncadd.s32 $0xFFFFD800  }
0xdf: {  	[hbm4b:s10+s3] =	stream.linear.scatter [tilespmem:s3], [sflag:$0x3], $0x2800, $0x38;
	[tilespmem:$0x19100] =	vst v63  }
0xe0: {  	_ =	swait.ge [sflag:s30], $0x2800  }
0xe1: {  	[sflag:s30] =	ssyncset.done $0x0  }
0xe2: {  	[sflag:s30] =	ssyncadd.s32 $0xFFFFD800  }
0xe3: {  	[tilespmem:s3], [sflag:$0x3] =	stream.linear.gather [spmem:s21], $0x2800, $0x38;
	[tilespmem:$0x19100] =	vst v63  }
0xe4: {  	_ =	swait.ge [sflag:s30], $0x2800  }
0xe5: {  	[sflag:s30] =	ssyncset.done $0x0  }
0xe6: {  	s11 =	rddreg [dreg:$0x9];
	[sflag:s30] =	ssyncadd.s32 $0xFFFFD800  }
0xe7: {  	[hbm4b:s11+s3] =	stream.linear.scatter [tilespmem:s3], [sflag:$0x3], $0x2800, $0x38;
	[tilespmem:$0x19100] =	vst v63  }
0xe8: {  	_ =	swait.ge [sflag:s30], $0x2800  }
0xe9: {  	[sflag:s30] =	ssyncset.done $0x0  }
0xea: {  	[sflag:s30] =	ssyncadd.s32 $0xFFFFD800  }
0xeb: {  	[tilespmem:s3], [sflag:$0x3] =	stream.linear.gather [spmem:s22], $0x2800, $0x38;
	[tilespmem:$0x19100] =	vst v63  }
0xec: {  	_ =	swait.ge [sflag:s30], $0x2800  }
0xed: {  	[sflag:s30] =	ssyncset.done $0x0  }
0xee: {  	s13 =	rddreg [dreg:$0xa];
	[sflag:s30] =	ssyncadd.s32 $0xFFFFD800  }
0xef: {  	[hbm4b:s13+s3] =	stream.linear.scatter [tilespmem:s3], [sflag:$0x3], $0x2800, $0x38;
	[tilespmem:$0x19100] =	vst v63  }
0xf0: {  	_ =	swait.ge [sflag:s30], $0x2800  }
0xf1: {  	[sflag:s30] =	ssyncset.done $0x0  }
0xf2: {  	[sflag:s30] =	ssyncadd.s32 $0xFFFFD800  }
0xf3: {  	[tilespmem:s3], [sflag:$0x3] =	stream.linear.gather [spmem:s23], $0x2800, $0x38;
	[tilespmem:$0x19100] =	vst v63  }
0xf4: {  	_ =	swait.ge [sflag:s30], $0x2800  }
0xf5: {  	[sflag:s30] =	ssyncset.done $0x0  }
0xf6: {  	s14 =	rddreg [dreg:$0xb];
	[sflag:s30] =	ssyncadd.s32 $0xFFFFD800  }
0xf7: {  	[hbm4b:s14+s3] =	stream.linear.scatter [tilespmem:s3], [sflag:$0x3], $0x2800, $0x38;
	[tilespmem:$0x19100] =	vst v63  }
0xf8: {  	_ =	swait.ge [sflag:s30], $0x2800  }
0xf9: {  	[sflag:s30] =	ssyncset.done $0x0  }
0xfa: {  	[sflag:s30] =	ssyncadd.s32 $0xFFFFD800  }
0xfb: {  	[tilespmem:s3], [sflag:$0x3] =	stream.linear.gather [spmem:s24], $0x2800, $0x38;
	[tilespmem:$0x19100] =	vst v63  }
0xfc: {  	s7 =	sadd.s32 $0x1, s7;
	_ =	swait.ge [sflag:s30], $0x2800  }
0xfd: {  	p0 =	sne.s32 s7, s16;
	[sflag:s30] =	ssyncset.done $0x0  }
.Ltmp2:
0xfe: {  	s28 =	rddreg [dreg:$0xc];
	[sflag:s30] =	ssyncadd.s32 $0xFFFFD800;
	(pc) =	sbr.rel @p0 .LBB2_1-.Ltmp2, $4  }
0xff: {  	[hbm4b:s28+s3] =	stream.linear.scatter [tilespmem:s3], [sflag:$0x3], $0x2800, $0x38;
	[tilespmem:$0x19100] =	vst v63  }
0x100: {  	_ =	swait.ge [sflag:s30], $0x2800  }
0x101: {  	[sflag:s30] =	ssyncset.done $0x0  }
0x102: {  	[sflag:s30] =	ssyncadd.s32 $0xFFFFD800  }
0x103: {  	_ =	sfence.sel $0x180000  }
0x104: {  	[bflag:$0x0] =	sbarrier.arrive $0xFFFF  }
0x105: {  	_ =	strace $0x9000004A  }
0x106: {  	s0 =	stileid.u32;
	[bflag:$0x2] =	sbarrier.arrive $0xFFFF  }
0x107: {  	p0 =	sne.s32 s0, $0x0;
	s0 =	rddreg [dreg:$0x4]  }
0x108: {  	s0 =	sadd.s32 @!p0 $0x100000, s0  }
0x109: {  	[sflag:s0] =	ssyncadd.tile.s32 @!p0 $0x1;
	_ =	shalt  }
.Lfunc_end2:
_tile_overlayer_lowered:
.L_overlay_start_2:
0x10a: {  	(tag) =	ssettag $0x2  }
0x10b: {  	s0 =	rddreg [dreg:$0x0];
	s2 =	stileid.u32  }
0x10c: {  	s1 =	rddreg [dreg:$0x1];
	p0 =	sne.s32 s2, $0x0  }
0x10d: {  	s3 =	rddreg [dreg:$0x2];
	[bflag:$0x3] =	sbarrier.arrive $0xFFFF;
	s2 =	simm.s32 @!p0 $0x1C03  }
0x10e: {  	[timem:s3], [sflag:s2] =	dma.local @!p0 [hbm:s0], s1  }
0x10f: {  	s0 =	simm.s32 @!p0 $0x3  }
0x110: {  	_ =	swait.ge @!p0 [sflag:s0], s1  }
0x111: {  	s1 =	ssub.s32 @!p0 $0x0, s1;
	[sflag:s0] =	ssyncset.done @!p0 $0x0  }
0x112: {  	[sflag:s0] =	ssyncadd.s32 @!p0 s1  }
0x113: {  	[bflag:$0x3] =	sbarrier.arrive $0xFFFF  }
0x114: {  	_ =	shalt  }

</sc_bundles>
